<compile_context>
chip_gen: v7x
topology: tpu7x:2x2x1
jax: 0.10.2.dev20260603
libtpu: 0.0.44.dev20260713+nightly
codegen_flags: <defaults>
</compile_context>

<pallas_src>
import functools

import jax
import jax.numpy as jnp
from jax import lax
from jax.experimental import pallas as pl
from jax.experimental.pallas import tpu as pltpu
from jax.experimental.pallas import tpu_sc as plsc

N = 10000
E = 320000
D = 128
H = 64
C = 16
G = 64

NC = 2
NS = 16
NW = NC * NS
EPW = E // NW
BLK = 80
NBLK = EPW // BLK
N_PAD = 10240
RPW = N_PAD // NS
DEGW = 16

assert E % NW == 0 and EPW % BLK == 0 and N_PAD % (8 * NS) == 0

_MESH = plsc.VectorSubcoreMesh(
    core_axis_name="c", subcore_axis_name="s", num_cores=NC, num_subcores=NS)



def _sc_deg_body(dst_hbm, ones_hbm, zero_hbm, out_hbm, dstb, onesv, acc, sem):
    c = lax.axis_index("c")
    s = lax.axis_index("s")
    gwid = c * NS + s
    pltpu.sync_copy(ones_hbm, onesv)
    pltpu.sync_copy(zero_hbm.at[pl.ds(s * RPW, RPW)],
                    acc.at[pl.ds(s * RPW, RPW)])
    plsc.subcore_barrier()

    def body(j, carry):
        off = gwid * EPW + j * BLK
        pltpu.sync_copy(dst_hbm.at[pl.ds(off, BLK)], dstb)
        pltpu.sync_copy(onesv, acc.at[dstb], add=True)
        return carry

    lax.fori_loop(0, NBLK, body, 0)
    plsc.subcore_barrier()
    pltpu.sync_copy(acc.at[pl.ds(s * RPW, RPW)],
                    out_hbm.at[pl.ds(c * N_PAD + s * RPW, RPW)])


_SC_PARAMS = pltpu.CompilerParams(use_tc_tiling_on_sc=False)

_sc_degree = functools.partial(
    pl.kernel,
    out_type=jax.ShapeDtypeStruct((NC * N_PAD, DEGW), jnp.float32),
    mesh=_MESH,
    compiler_params=_SC_PARAMS,
    scratch_types=[
        pltpu.VMEM((BLK,), jnp.int32),
        pltpu.VMEM((BLK, DEGW), jnp.float32),
        pltpu.VMEM_SHARED((N_PAD, DEGW), jnp.float32),
        pltpu.SemaphoreType.DMA,
    ],
)(_sc_deg_body)


def _sc_conv_body(g_hbm, src_hbm, dst_hbm, zero_hbm, out_hbm,
                  srcb, dstb, rows, acc, sem):
    c = lax.axis_index("c")
    s = lax.axis_index("s")
    gwid = c * NS + s
    pltpu.sync_copy(zero_hbm.at[pl.ds(s * RPW, RPW)],
                    acc.at[pl.ds(s * RPW, RPW)])
    plsc.subcore_barrier()

    def body(j, carry):
        off = gwid * EPW + j * BLK
        pltpu.sync_copy(src_hbm.at[pl.ds(off, BLK)], srcb)
        pltpu.sync_copy(dst_hbm.at[pl.ds(off, BLK)], dstb)
        pltpu.async_copy(g_hbm.at[srcb], rows, sem).wait()
        pltpu.sync_copy(rows, acc.at[dstb], add=True)
        return carry

    lax.fori_loop(0, NBLK, body, 0)
    plsc.subcore_barrier()
    pltpu.sync_copy(acc.at[pl.ds(s * RPW, RPW)],
                    out_hbm.at[pl.ds(c * N_PAD + s * RPW, RPW)])


_sc_conv = functools.partial(
    pl.kernel,
    out_type=jax.ShapeDtypeStruct((NC * N_PAD, H), jnp.float32),
    mesh=_MESH,
    compiler_params=_SC_PARAMS,
    scratch_types=[
        pltpu.VMEM((BLK,), jnp.int32),
        pltpu.VMEM((BLK,), jnp.int32),
        pltpu.VMEM((BLK, H), jnp.float32),
        pltpu.VMEM_SHARED((N_PAD, H), jnp.float32),
        pltpu.SemaphoreType.DMA,
    ],
)(_sc_conv_body)



def _tc_prep_body(x_ref, w1_ref, degp_ref, g1_ref, dinv_ref):
    deg = degp_ref[0:N, 0:1] + degp_ref[N_PAD:N_PAD + N, 0:1] + 1.0
    dinv = lax.rsqrt(deg)
    h1 = jnp.dot(x_ref[...], w1_ref[...], preferred_element_type=jnp.float32)
    dinv_ref[...] = dinv
    g1_ref[...] = h1 * dinv


def _tc_prep(x, w1, degp):
    return pl.pallas_call(
        _tc_prep_body,
        out_shape=(jax.ShapeDtypeStruct((N, H), jnp.float32),
                   jax.ShapeDtypeStruct((N, 1), jnp.float32)),
    )(x, w1, degp)


def _tc_mid_body(sp_ref, g1_ref, dinv_ref, b1_ref, w2_ref, g2_ref):
    ssum = sp_ref[0:N, :] + sp_ref[N_PAD:N_PAD + N, :]
    dinv = dinv_ref[...]
    h1 = jnp.maximum(dinv * (ssum + g1_ref[...]) + b1_ref[...], 0.0)
    h2 = jnp.dot(h1, w2_ref[...], preferred_element_type=jnp.float32)
    g2_ref[...] = h2 * dinv


def _tc_mid(sp, g1, dinv, b1, w2):
    return pl.pallas_call(
        _tc_mid_body,
        out_shape=jax.ShapeDtypeStruct((N, H), jnp.float32),
    )(sp, g1, dinv, b1, w2)


def _tc_final_body(sp_ref, g2_ref, dinv_ref, b2_ref, batch_ref, wc_ref,
                   bc_ref, out_ref):
    ssum = sp_ref[0:N, :] + sp_ref[N_PAD:N_PAD + N, :]
    z = jnp.maximum(dinv_ref[...] * (ssum + g2_ref[...]) + b2_ref[...], 0.0)
    gids = lax.broadcasted_iota(jnp.int32, (G, N), 0)
    sel = (gids == batch_ref[...]).astype(jnp.float32)
    sums = jnp.dot(sel, z, preferred_element_type=jnp.float32)
    counts = jnp.sum(sel, axis=1, keepdims=True)
    pooled = sums / jnp.maximum(counts, 1.0)
    out_ref[...] = (
        jnp.dot(pooled, wc_ref[...], preferred_element_type=jnp.float32)
        + bc_ref[...])


def _tc_final(sp, g2, dinv, b2, batch2d, wc, bc):
    return pl.pallas_call(
        _tc_final_body,
        out_shape=jax.ShapeDtypeStruct((G, C), jnp.float32),
    )(sp, g2, dinv, b2, batch2d, wc, bc)



def kernel(x, edge_index, batch, W1, b1, W2, b2, Wc, bc):
    src = edge_index[0].astype(jnp.int32)
    dst = edge_index[1].astype(jnp.int32)
    batch2d = batch.astype(jnp.int32).reshape(1, N)
    ones_blk = jnp.ones((BLK, DEGW), jnp.float32)
    zeros_deg = jnp.zeros((N_PAD, DEGW), jnp.float32)
    zeros_h = jnp.zeros((N_PAD, H), jnp.float32)

    degp = _sc_degree(dst, ones_blk, zeros_deg)
    g1, dinv = _tc_prep(x, W1, degp)
    s1 = _sc_conv(g1, src, dst, zeros_h)
    g2 = _tc_mid(s1, g1, dinv, b1.reshape(1, H), W2)
    s2 = _sc_conv(g2, src, dst, zeros_h)
    return _tc_final(s2, g2, dinv, b2.reshape(1, H), batch2d, Wc,
                     bc.reshape(1, C))

# --- scband reference (transcript-rebuilt; emitter-appended) ---
"""Pipeline reference for scband-gcnclassifier-16750372454517 (READ-ONLY COPY).

The authoritative reference and input builder live on the scoring server;
editing this copy changes nothing except your own understanding.
"""

import jax, jax.numpy as jnp
import numpy as np

N = 10000
E = 320000
D = 128
H = 64
C = 16
G = 64


def setup_inputs(seed: int = 0) -> dict:
    key = jax.random.key(seed)
    ks = jax.random.split(key, 10)
    x = jax.random.normal(ks[0], (N, D), dtype=jnp.float32)
    edge_index = jax.random.randint(ks[1], (2, E), 0, N, dtype=jnp.int64)
    batch = jnp.sort(jax.random.randint(ks[2], (N,), 0, G, dtype=jnp.int64))
    s1 = 1.0 / np.sqrt(D)
    s2 = 1.0 / np.sqrt(H)
    W1 = jax.random.uniform(ks[3], (D, H), dtype=jnp.float32, minval=-s1, maxval=s1)
    b1 = jnp.zeros((H,), dtype=jnp.float32)
    W2 = jax.random.uniform(ks[4], (H, H), dtype=jnp.float32, minval=-s2, maxval=s2)
    b2 = jnp.zeros((H,), dtype=jnp.float32)
    Wc = jax.random.uniform(ks[5], (H, C), dtype=jnp.float32, minval=-s2, maxval=s2)
    bc = jax.random.uniform(ks[6], (C,), dtype=jnp.float32, minval=-s2, maxval=s2)
    return {"x": x, "edge_index": edge_index, "batch": batch,
            "W1": W1, "b1": b1, "W2": W2, "b2": b2, "Wc": Wc, "bc": bc}


def _gcn_conv(x, edge_index, W, b, num_nodes):
    # GCNConv: add self-loops, symmetric normalization D^-1/2 (A+I) D^-1/2, then linear
    loop = jnp.arange(num_nodes, dtype=edge_index.dtype)
    src = jnp.concatenate([edge_index[0], loop])
    dst = jnp.concatenate([edge_index[1], loop])
    h = x @ W
    deg = jnp.zeros((num_nodes,), dtype=h.dtype).at[dst].add(1.0)
    dinv = jnp.where(deg > 0, jax.lax.rsqrt(deg), 0.0)
    norm = dinv[src] * dinv[dst]
    msg = h[src] * norm[:, None]
    out = jnp.zeros((num_nodes, h.shape[1]), dtype=h.dtype).at[dst].add(msg)
    return out + b


def reference(x, edge_index, batch, W1, b1, W2, b2, Wc, bc):
    h = jax.nn.relu(_gcn_conv(x, edge_index, W1, b1, N))
    # dropout is identity in eval mode
    h = jax.nn.relu(_gcn_conv(h, edge_index, W2, b2, N))
    # global_mean_pool over graph ids
    sums = jax.ops.segment_sum(h, batch, num_segments=G)
    counts = jax.ops.segment_sum(jnp.ones((N,), dtype=h.dtype), batch, num_segments=G)
    pooled = sums / jnp.maximum(counts, 1.0)[:, None]
    return pooled @ Wc + bc

if __name__ == "__main__":
    import jax
    _d = setup_inputs()
    print(jax.jit(kernel)(*tuple(_d.values())))

</pallas_src>

<mosaic_0001>
#map = affine_map<(d0, d1) -> (0)>
#map1 = affine_map<(d0, d1) -> (0, 0)>
module attributes {stable_mosaic.version = 14 : i64} {
  func.func @_sc_deg_body(%arg0: i32, %arg1: i32, %arg2: memref<320000xi32, #tpu.memory_space<hbm>>, %arg3: memref<80x16xf32, #tpu.memory_space<hbm>>, %arg4: memref<10240x16xf32, #tpu.memory_space<hbm>>, %arg5: memref<20480x16xf32, #tpu.memory_space<hbm>>, %arg6: memref<80xi32, #tpu.memory_space<vmem>>, %arg7: memref<80x16xf32, #tpu.memory_space<vmem>>, %arg8: memref<10240x16xf32, #tpu.memory_space<vmem_shared>>, %arg9: memref<!tpu.dma_semaphore, #tpu.memory_space<semaphore_mem>>) attributes {dimension_semantics = [#tpu.dimension_semantics<core_parallel>, #tpu.dimension_semantics<subcore_parallel>], iteration_bounds = array<i64: 2, 16>, scalar_prefetch = 0 : i64, scratch_operands = 4 : i64, tpu.core_type = #tpu.core_type<sc_vector_subcore>, window_params = [{transform_indices = #map}, {transform_indices = #map1}, {transform_indices = #map1}, {transform_indices = #map1}]} {
    %mul3A = arith.constant 16 : i32
    %mul3A_0 = arith.muli %arg0, %mul3A : i32
    %add3A = arith.addi %mul3A_0, %arg1 : i32
    "tpu.region"() ({
      %run_scoped3A = tpu.sem_alloc : memref<!tpu.dma_semaphore, #tpu.memory_space<semaphore_mem>>
      tpu.enqueue_dma source(%arg3 : memref<80x16xf32, #tpu.memory_space<hbm>>) target(%arg7 : memref<80x16xf32, #tpu.memory_space<vmem>>) target_semaphore(%run_scoped3A : memref<!tpu.dma_semaphore, #tpu.memory_space<semaphore_mem>>)
      tpu.wait_dma2 semaphore(%run_scoped3A : memref<!tpu.dma_semaphore, #tpu.memory_space<semaphore_mem>>) src(%arg3 : memref<80x16xf32, #tpu.memory_space<hbm>>) dst(%arg7 : memref<80x16xf32, #tpu.memory_space<vmem>>)
      tpu.yield
    }) : () -> ()
    %mul3A_1 = arith.constant 640 : i32
    %mul3A_2 = arith.muli %arg1, %mul3A_1 : i32
    %mul3A_3 = arith.constant 640 : i32
    %mul3A_4 = arith.muli %arg1, %mul3A_3 : i32
    "tpu.region"() ({
      %run_scoped3A = tpu.sem_alloc : memref<!tpu.dma_semaphore, #tpu.memory_space<semaphore_mem>>
      %dma_start3A = arith.constant 0 : i32
      %dma_start3A_18 = tpu.memref_slice %arg8[%mul3A_4, %dma_start3A] : memref<10240x16xf32, #tpu.memory_space<vmem_shared>> -> memref<640x16xf32, #tpu.memory_space<vmem_shared>>
      %dma_start3A_19 = arith.constant 0 : i32
      %dma_start3A_20 = tpu.memref_slice %arg4[%mul3A_2, %dma_start3A_19] : memref<10240x16xf32, #tpu.memory_space<hbm>> -> memref<640x16xf32, #tpu.memory_space<hbm>>
      tpu.enqueue_dma source(%dma_start3A_20 : memref<640x16xf32, #tpu.memory_space<hbm>>) target(%dma_start3A_18 : memref<640x16xf32, #tpu.memory_space<vmem_shared>>) target_semaphore(%run_scoped3A : memref<!tpu.dma_semaphore, #tpu.memory_space<semaphore_mem>>)
      %dma_wait3A = arith.constant 0 : i32
      %dma_wait3A_21 = tpu.memref_slice %arg8[%mul3A_4, %dma_wait3A] : memref<10240x16xf32, #tpu.memory_space<vmem_shared>> -> memref<640x16xf32, #tpu.memory_space<vmem_shared>>
      %dma_wait3A_22 = arith.constant 0 : i32
      %dma_wait3A_23 = tpu.memref_slice %arg4[%mul3A_2, %dma_wait3A_22] : memref<10240x16xf32, #tpu.memory_space<hbm>> -> memref<640x16xf32, #tpu.memory_space<hbm>>
      tpu.wait_dma2 semaphore(%run_scoped3A : memref<!tpu.dma_semaphore, #tpu.memory_space<semaphore_mem>>) src(%dma_wait3A_23 : memref<640x16xf32, #tpu.memory_space<hbm>>) dst(%dma_wait3A_21 : memref<640x16xf32, #tpu.memory_space<vmem_shared>>)
      tpu.yield
    }) : () -> ()
    %barrier3A = arith.constant 0 : index
    tpu.barrier barrier_id(%barrier3A)
    %scan3A = arith.constant 0 : i32
    %scan3A_5 = arith.constant 0 : i32
    %scan3A_6 = arith.constant 125 : i32
    %scan3A_7 = arith.addi %scan3A_5, %scan3A_6 : i32
    %scan3A_8 = arith.constant 1 : i32
    scf.for %scan3A_18 = %scan3A_5 to %scan3A_7 step %scan3A_8  : i32 {
      %mul3A_19 = arith.constant 10000 : i32
      %mul3A_20 = arith.muli %add3A, %mul3A_19 : i32
      %mul3A_21 = arith.constant 80 : i32
      %mul3A_22 = arith.muli %scan3A_18, %mul3A_21 : i32
      %add3A_23 = arith.addi %mul3A_20, %mul3A_22 : i32
      "tpu.region"() ({
        %run_scoped3A = tpu.sem_alloc : memref<!tpu.dma_semaphore, #tpu.memory_space<semaphore_mem>>
        %dma_start3A = tpu.memref_slice %arg2[%add3A_23] : memref<320000xi32, #tpu.memory_space<hbm>> -> memref<80xi32, #tpu.memory_space<hbm>>
        %dma_start3A_24 = tpu.memref_slice %arg2[%add3A_23] : memref<320000xi32, #tpu.memory_space<hbm>> -> memref<80xi32, #tpu.memory_space<hbm>>
        tpu.enqueue_dma source(%dma_start3A_24 : memref<80xi32, #tpu.memory_space<hbm>>) target(%arg6 : memref<80xi32, #tpu.memory_space<vmem>>) target_semaphore(%run_scoped3A : memref<!tpu.dma_semaphore, #tpu.memory_space<semaphore_mem>>)
        %dma_wait3A = tpu.memref_slice %arg2[%add3A_23] : memref<320000xi32, #tpu.memory_space<hbm>> -> memref<80xi32, #tpu.memory_space<hbm>>
        %dma_wait3A_25 = tpu.memref_slice %arg2[%add3A_23] : memref<320000xi32, #tpu.memory_space<hbm>> -> memref<80xi32, #tpu.memory_space<hbm>>
        tpu.wait_dma2 semaphore(%run_scoped3A : memref<!tpu.dma_semaphore, #tpu.memory_space<semaphore_mem>>) src(%dma_wait3A_25 : memref<80xi32, #tpu.memory_space<hbm>>) dst(%arg6 : memref<80xi32, #tpu.memory_space<vmem>>)
        tpu.yield
      }) : () -> ()
      "tpu.region"() ({
        %run_scoped3A = tpu.sem_alloc : memref<!tpu.dma_semaphore, #tpu.memory_space<semaphore_mem>>
        %dma_start3A = arith.constant 0 : i32
        %dma_start3A_24 = arith.constant 0 : i32
        %dma_start3A_25 = tpu.memref_slice %arg8[%dma_start3A, %dma_start3A_24] : memref<10240x16xf32, #tpu.memory_space<vmem_shared>> -> memref<10240x16xf32, #tpu.memory_space<vmem_shared>>
        tpu.enqueue_indirect_dma source(%arg7 : memref<80x16xf32, #tpu.memory_space<vmem>>) target(%dma_start3A_25 : memref<10240x16xf32, #tpu.memory_space<vmem_shared>>) offsets(%arg6 : memref<80xi32, #tpu.memory_space<vmem>>) semaphore(%run_scoped3A : memref<!tpu.dma_semaphore, #tpu.memory_space<semaphore_mem>>) {add = true}
        %dma_wait3A = arith.constant 0 : i32
        %dma_wait3A_26 = arith.constant 0 : i32
        %dma_wait3A_27 = tpu.memref_slice %arg8[%dma_wait3A, %dma_wait3A_26] : memref<10240x16xf32, #tpu.memory_space<vmem_shared>> -> memref<10240x16xf32, #tpu.memory_space<vmem_shared>>
        tpu.wait_indirect_dma semaphore(%run_scoped3A : memref<!tpu.dma_semaphore, #tpu.memory_space<semaphore_mem>>) src(%arg7 : memref<80x16xf32, #tpu.memory_space<vmem>>) dst(%dma_wait3A_27 : memref<10240x16xf32, #tpu.memory_space<vmem_shared>>)
        tpu.yield
      }) : () -> ()
    }
    %scan3A_9 = arith.constant 125 : i32
    %barrier3A_10 = arith.constant 0 : index
    tpu.barrier barrier_id(%barrier3A_10)
    %mul3A_11 = arith.constant 640 : i32
    %mul3A_12 = arith.muli %arg1, %mul3A_11 : i32
    %mul3A_13 = arith.constant 10240 : i32
    %mul3A_14 = arith.muli %arg0, %mul3A_13 : i32
    %mul3A_15 = arith.constant 640 : i32
    %mul3A_16 = arith.muli %arg1, %mul3A_15 : i32
    %add3A_17 = arith.addi %mul3A_14, %mul3A_16 : i32
    "tpu.region"() ({
      %run_scoped3A = tpu.sem_alloc : memref<!tpu.dma_semaphore, #tpu.memory_space<semaphore_mem>>
      %dma_start3A = arith.constant 0 : i32
      %dma_start3A_18 = tpu.memref_slice %arg5[%add3A_17, %dma_start3A] : memref<20480x16xf32, #tpu.memory_space<hbm>> -> memref<640x16xf32, #tpu.memory_space<hbm>>
      %dma_start3A_19 = arith.constant 0 : i32
      %dma_start3A_20 = tpu.memref_slice %arg8[%mul3A_12, %dma_start3A_19] : memref<10240x16xf32, #tpu.memory_space<vmem_shared>> -> memref<640x16xf32, #tpu.memory_space<vmem_shared>>
      tpu.enqueue_dma source(%dma_start3A_20 : memref<640x16xf32, #tpu.memory_space<vmem_shared>>) target(%dma_start3A_18 : memref<640x16xf32, #tpu.memory_space<hbm>>) target_semaphore(%run_scoped3A : memref<!tpu.dma_semaphore, #tpu.memory_space<semaphore_mem>>)
      %dma_wait3A = arith.constant 0 : i32
      %dma_wait3A_21 = tpu.memref_slice %arg5[%add3A_17, %dma_wait3A] : memref<20480x16xf32, #tpu.memory_space<hbm>> -> memref<640x16xf32, #tpu.memory_space<hbm>>
      %dma_wait3A_22 = arith.constant 0 : i32
      %dma_wait3A_23 = tpu.memref_slice %arg8[%mul3A_12, %dma_wait3A_22] : memref<10240x16xf32, #tpu.memory_space<vmem_shared>> -> memref<640x16xf32, #tpu.memory_space<vmem_shared>>
      tpu.wait_dma2 semaphore(%run_scoped3A : memref<!tpu.dma_semaphore, #tpu.memory_space<semaphore_mem>>) src(%dma_wait3A_23 : memref<640x16xf32, #tpu.memory_space<vmem_shared>>) dst(%dma_wait3A_21 : memref<640x16xf32, #tpu.memory_space<hbm>>)
      tpu.yield
    }) : () -> ()
    return
  }
}

#map = affine_map<(d0, d1) -> (0, 0)>
#map1 = affine_map<(d0, d1) -> (0)>
module attributes {stable_mosaic.version = 14 : i64} {
  func.func @_sc_conv_body(%arg0: i32, %arg1: i32, %arg2: memref<10000x64xf32, #tpu.memory_space<hbm>>, %arg3: memref<320000xi32, #tpu.memory_space<hbm>>, %arg4: memref<320000xi32, #tpu.memory_space<hbm>>, %arg5: memref<10240x64xf32, #tpu.memory_space<hbm>>, %arg6: memref<20480x64xf32, #tpu.memory_space<hbm>>, %arg7: memref<80xi32, #tpu.memory_space<vmem>>, %arg8: memref<80xi32, #tpu.memory_space<vmem>>, %arg9: memref<80x64xf32, #tpu.memory_space<vmem>>, %arg10: memref<10240x64xf32, #tpu.memory_space<vmem_shared>>, %arg11: memref<!tpu.dma_semaphore, #tpu.memory_space<semaphore_mem>>) attributes {dimension_semantics = [#tpu.dimension_semantics<core_parallel>, #tpu.dimension_semantics<subcore_parallel>], iteration_bounds = array<i64: 2, 16>, scalar_prefetch = 0 : i64, scratch_operands = 5 : i64, tpu.core_type = #tpu.core_type<sc_vector_subcore>, window_params = [{transform_indices = #map}, {transform_indices = #map1}, {transform_indices = #map1}, {transform_indices = #map}, {transform_indices = #map}]} {
    %mul3A = arith.constant 16 : i32
    %mul3A_0 = arith.muli %arg0, %mul3A : i32
    %add3A = arith.addi %mul3A_0, %arg1 : i32
    %mul3A_1 = arith.constant 640 : i32
    %mul3A_2 = arith.muli %arg1, %mul3A_1 : i32
    %mul3A_3 = arith.constant 640 : i32
    %mul3A_4 = arith.muli %arg1, %mul3A_3 : i32
    "tpu.region"() ({
      %run_scoped3A = tpu.sem_alloc : memref<!tpu.dma_semaphore, #tpu.memory_space<semaphore_mem>>
      %dma_start3A = arith.constant 0 : i32
      %dma_start3A_18 = tpu.memref_slice %arg10[%mul3A_4, %dma_start3A] : memref<10240x64xf32, #tpu.memory_space<vmem_shared>> -> memref<640x64xf32, #tpu.memory_space<vmem_shared>>
      %dma_start3A_19 = arith.constant 0 : i32
      %dma_start3A_20 = tpu.memref_slice %arg5[%mul3A_2, %dma_start3A_19] : memref<10240x64xf32, #tpu.memory_space<hbm>> -> memref<640x64xf32, #tpu.memory_space<hbm>>
      tpu.enqueue_dma source(%dma_start3A_20 : memref<640x64xf32, #tpu.memory_space<hbm>>) target(%dma_start3A_18 : memref<640x64xf32, #tpu.memory_space<vmem_shared>>) target_semaphore(%run_scoped3A : memref<!tpu.dma_semaphore, #tpu.memory_space<semaphore_mem>>)
      %dma_wait3A = arith.constant 0 : i32
      %dma_wait3A_21 = tpu.memref_slice %arg10[%mul3A_4, %dma_wait3A] : memref<10240x64xf32, #tpu.memory_space<vmem_shared>> -> memref<640x64xf32, #tpu.memory_space<vmem_shared>>
      %dma_wait3A_22 = arith.constant 0 : i32
      %dma_wait3A_23 = tpu.memref_slice %arg5[%mul3A_2, %dma_wait3A_22] : memref<10240x64xf32, #tpu.memory_space<hbm>> -> memref<640x64xf32, #tpu.memory_space<hbm>>
      tpu.wait_dma2 semaphore(%run_scoped3A : memref<!tpu.dma_semaphore, #tpu.memory_space<semaphore_mem>>) src(%dma_wait3A_23 : memref<640x64xf32, #tpu.memory_space<hbm>>) dst(%dma_wait3A_21 : memref<640x64xf32, #tpu.memory_space<vmem_shared>>)
      tpu.yield
    }) : () -> ()
    %barrier3A = arith.constant 0 : index
    tpu.barrier barrier_id(%barrier3A)
    %scan3A = arith.constant 0 : i32
    %scan3A_5 = arith.constant 0 : i32
    %scan3A_6 = arith.constant 125 : i32
    %scan3A_7 = arith.addi %scan3A_5, %scan3A_6 : i32
    %scan3A_8 = arith.constant 1 : i32
    scf.for %scan3A_18 = %scan3A_5 to %scan3A_7 step %scan3A_8  : i32 {
      %mul3A_19 = arith.constant 10000 : i32
      %mul3A_20 = arith.muli %add3A, %mul3A_19 : i32
      %mul3A_21 = arith.constant 80 : i32
      %mul3A_22 = arith.muli %scan3A_18, %mul3A_21 : i32
      %add3A_23 = arith.addi %mul3A_20, %mul3A_22 : i32
      "tpu.region"() ({
        %run_scoped3A = tpu.sem_alloc : memref<!tpu.dma_semaphore, #tpu.memory_space<semaphore_mem>>
        %dma_start3A_28 = tpu.memref_slice %arg3[%add3A_23] : memref<320000xi32, #tpu.memory_space<hbm>> -> memref<80xi32, #tpu.memory_space<hbm>>
        %dma_start3A_29 = tpu.memref_slice %arg3[%add3A_23] : memref<320000xi32, #tpu.memory_space<hbm>> -> memref<80xi32, #tpu.memory_space<hbm>>
        tpu.enqueue_dma source(%dma_start3A_29 : memref<80xi32, #tpu.memory_space<hbm>>) target(%arg7 : memref<80xi32, #tpu.memory_space<vmem>>) target_semaphore(%run_scoped3A : memref<!tpu.dma_semaphore, #tpu.memory_space<semaphore_mem>>)
        %dma_wait3A_30 = tpu.memref_slice %arg3[%add3A_23] : memref<320000xi32, #tpu.memory_space<hbm>> -> memref<80xi32, #tpu.memory_space<hbm>>
        %dma_wait3A_31 = tpu.memref_slice %arg3[%add3A_23] : memref<320000xi32, #tpu.memory_space<hbm>> -> memref<80xi32, #tpu.memory_space<hbm>>
        tpu.wait_dma2 semaphore(%run_scoped3A : memref<!tpu.dma_semaphore, #tpu.memory_space<semaphore_mem>>) src(%dma_wait3A_31 : memref<80xi32, #tpu.memory_space<hbm>>) dst(%arg7 : memref<80xi32, #tpu.memory_space<vmem>>)
        tpu.yield
      }) : () -> ()
      "tpu.region"() ({
        %run_scoped3A = tpu.sem_alloc : memref<!tpu.dma_semaphore, #tpu.memory_space<semaphore_mem>>
        %dma_start3A_28 = tpu.memref_slice %arg4[%add3A_23] : memref<320000xi32, #tpu.memory_space<hbm>> -> memref<80xi32, #tpu.memory_space<hbm>>
        %dma_start3A_29 = tpu.memref_slice %arg4[%add3A_23] : memref<320000xi32, #tpu.memory_space<hbm>> -> memref<80xi32, #tpu.memory_space<hbm>>
        tpu.enqueue_dma source(%dma_start3A_29 : memref<80xi32, #tpu.memory_space<hbm>>) target(%arg8 : memref<80xi32, #tpu.memory_space<vmem>>) target_semaphore(%run_scoped3A : memref<!tpu.dma_semaphore, #tpu.memory_space<semaphore_mem>>)
        %dma_wait3A_30 = tpu.memref_slice %arg4[%add3A_23] : memref<320000xi32, #tpu.memory_space<hbm>> -> memref<80xi32, #tpu.memory_space<hbm>>
        %dma_wait3A_31 = tpu.memref_slice %arg4[%add3A_23] : memref<320000xi32, #tpu.memory_space<hbm>> -> memref<80xi32, #tpu.memory_space<hbm>>
        tpu.wait_dma2 semaphore(%run_scoped3A : memref<!tpu.dma_semaphore, #tpu.memory_space<semaphore_mem>>) src(%dma_wait3A_31 : memref<80xi32, #tpu.memory_space<hbm>>) dst(%arg8 : memref<80xi32, #tpu.memory_space<vmem>>)
        tpu.yield
      }) : () -> ()
      %dma_start3A = arith.constant 0 : i32
      %dma_start3A_24 = arith.constant 0 : i32
      %dma_start3A_25 = tpu.memref_slice %arg2[%dma_start3A, %dma_start3A_24] : memref<10000x64xf32, #tpu.memory_space<hbm>> -> memref<10000x64xf32, #tpu.memory_space<hbm>>
      tpu.enqueue_indirect_dma source(%dma_start3A_25 : memref<10000x64xf32, #tpu.memory_space<hbm>>) target(%arg9 : memref<80x64xf32, #tpu.memory_space<vmem>>) offsets(%arg7 : memref<80xi32, #tpu.memory_space<vmem>>) semaphore(%arg11 : memref<!tpu.dma_semaphore, #tpu.memory_space<semaphore_mem>>)
      %dma_wait3A = arith.constant 0 : i32
      %dma_wait3A_26 = arith.constant 0 : i32
      %dma_wait3A_27 = tpu.memref_slice %arg2[%dma_wait3A, %dma_wait3A_26] : memref<10000x64xf32, #tpu.memory_space<hbm>> -> memref<10000x64xf32, #tpu.memory_space<hbm>>
      tpu.wait_indirect_dma semaphore(%arg11 : memref<!tpu.dma_semaphore, #tpu.memory_space<semaphore_mem>>) src(%dma_wait3A_27 : memref<10000x64xf32, #tpu.memory_space<hbm>>) dst(%arg9 : memref<80x64xf32, #tpu.memory_space<vmem>>)
      "tpu.region"() ({
        %run_scoped3A = tpu.sem_alloc : memref<!tpu.dma_semaphore, #tpu.memory_space<semaphore_mem>>
        %dma_start3A_28 = arith.constant 0 : i32
        %dma_start3A_29 = arith.constant 0 : i32
        %dma_start3A_30 = tpu.memref_slice %arg10[%dma_start3A_28, %dma_start3A_29] : memref<10240x64xf32, #tpu.memory_space<vmem_shared>> -> memref<10240x64xf32, #tpu.memory_space<vmem_shared>>
        tpu.enqueue_indirect_dma source(%arg9 : memref<80x64xf32, #tpu.memory_space<vmem>>) target(%dma_start3A_30 : memref<10240x64xf32, #tpu.memory_space<vmem_shared>>) offsets(%arg8 : memref<80xi32, #tpu.memory_space<vmem>>) semaphore(%run_scoped3A : memref<!tpu.dma_semaphore, #tpu.memory_space<semaphore_mem>>) {add = true}
        %dma_wait3A_31 = arith.constant 0 : i32
        %dma_wait3A_32 = arith.constant 0 : i32
        %dma_wait3A_33 = tpu.memref_slice %arg10[%dma_wait3A_31, %dma_wait3A_32] : memref<10240x64xf32, #tpu.memory_space<vmem_shared>> -> memref<10240x64xf32, #tpu.memory_space<vmem_shared>>
        tpu.wait_indirect_dma semaphore(%run_scoped3A : memref<!tpu.dma_semaphore, #tpu.memory_space<semaphore_mem>>) src(%arg9 : memref<80x64xf32, #tpu.memory_space<vmem>>) dst(%dma_wait3A_33 : memref<10240x64xf32, #tpu.memory_space<vmem_shared>>)
        tpu.yield
      }) : () -> ()
    }
    %scan3A_9 = arith.constant 125 : i32
    %barrier3A_10 = arith.constant 0 : index
    tpu.barrier barrier_id(%barrier3A_10)
    %mul3A_11 = arith.constant 640 : i32
    %mul3A_12 = arith.muli %arg1, %mul3A_11 : i32
    %mul3A_13 = arith.constant 10240 : i32
    %mul3A_14 = arith.muli %arg0, %mul3A_13 : i32
    %mul3A_15 = arith.constant 640 : i32
    %mul3A_16 = arith.muli %arg1, %mul3A_15 : i32
    %add3A_17 = arith.addi %mul3A_14, %mul3A_16 : i32
    "tpu.region"() ({
      %run_scoped3A = tpu.sem_alloc : memref<!tpu.dma_semaphore, #tpu.memory_space<semaphore_mem>>
      %dma_start3A = arith.constant 0 : i32
      %dma_start3A_18 = tpu.memref_slice %arg6[%add3A_17, %dma_start3A] : memref<20480x64xf32, #tpu.memory_space<hbm>> -> memref<640x64xf32, #tpu.memory_space<hbm>>
      %dma_start3A_19 = arith.constant 0 : i32
      %dma_start3A_20 = tpu.memref_slice %arg10[%mul3A_12, %dma_start3A_19] : memref<10240x64xf32, #tpu.memory_space<vmem_shared>> -> memref<640x64xf32, #tpu.memory_space<vmem_shared>>
      tpu.enqueue_dma source(%dma_start3A_20 : memref<640x64xf32, #tpu.memory_space<vmem_shared>>) target(%dma_start3A_18 : memref<640x64xf32, #tpu.memory_space<hbm>>) target_semaphore(%run_scoped3A : memref<!tpu.dma_semaphore, #tpu.memory_space<semaphore_mem>>)
      %dma_wait3A = arith.constant 0 : i32
      %dma_wait3A_21 = tpu.memref_slice %arg6[%add3A_17, %dma_wait3A] : memref<20480x64xf32, #tpu.memory_space<hbm>> -> memref<640x64xf32, #tpu.memory_space<hbm>>
      %dma_wait3A_22 = arith.constant 0 : i32
      %dma_wait3A_23 = tpu.memref_slice %arg10[%mul3A_12, %dma_wait3A_22] : memref<10240x64xf32, #tpu.memory_space<vmem_shared>> -> memref<640x64xf32, #tpu.memory_space<vmem_shared>>
      tpu.wait_dma2 semaphore(%run_scoped3A : memref<!tpu.dma_semaphore, #tpu.memory_space<semaphore_mem>>) src(%dma_wait3A_23 : memref<640x64xf32, #tpu.memory_space<vmem_shared>>) dst(%dma_wait3A_21 : memref<640x64xf32, #tpu.memory_space<hbm>>)
      tpu.yield
    }) : () -> ()
    return
  }
}

#map = affine_map<(d0, d1) -> (0, 0)>
#map1 = affine_map<(d0, d1) -> (0)>
module attributes {stable_mosaic.version = 14 : i64} {
  func.func @_sc_conv_body(%arg0: i32, %arg1: i32, %arg2: memref<10000x64xf32, #tpu.memory_space<hbm>>, %arg3: memref<320000xi32, #tpu.memory_space<hbm>>, %arg4: memref<320000xi32, #tpu.memory_space<hbm>>, %arg5: memref<10240x64xf32, #tpu.memory_space<hbm>>, %arg6: memref<20480x64xf32, #tpu.memory_space<hbm>>, %arg7: memref<80xi32, #tpu.memory_space<vmem>>, %arg8: memref<80xi32, #tpu.memory_space<vmem>>, %arg9: memref<80x64xf32, #tpu.memory_space<vmem>>, %arg10: memref<10240x64xf32, #tpu.memory_space<vmem_shared>>, %arg11: memref<!tpu.dma_semaphore, #tpu.memory_space<semaphore_mem>>) attributes {dimension_semantics = [#tpu.dimension_semantics<core_parallel>, #tpu.dimension_semantics<subcore_parallel>], iteration_bounds = array<i64: 2, 16>, scalar_prefetch = 0 : i64, scratch_operands = 5 : i64, tpu.core_type = #tpu.core_type<sc_vector_subcore>, window_params = [{transform_indices = #map}, {transform_indices = #map1}, {transform_indices = #map1}, {transform_indices = #map}, {transform_indices = #map}]} {
    %mul3A = arith.constant 16 : i32
    %mul3A_0 = arith.muli %arg0, %mul3A : i32
    %add3A = arith.addi %mul3A_0, %arg1 : i32
    %mul3A_1 = arith.constant 640 : i32
    %mul3A_2 = arith.muli %arg1, %mul3A_1 : i32
    %mul3A_3 = arith.constant 640 : i32
    %mul3A_4 = arith.muli %arg1, %mul3A_3 : i32
    "tpu.region"() ({
      %run_scoped3A = tpu.sem_alloc : memref<!tpu.dma_semaphore, #tpu.memory_space<semaphore_mem>>
      %dma_start3A = arith.constant 0 : i32
      %dma_start3A_18 = tpu.memref_slice %arg10[%mul3A_4, %dma_start3A] : memref<10240x64xf32, #tpu.memory_space<vmem_shared>> -> memref<640x64xf32, #tpu.memory_space<vmem_shared>>
      %dma_start3A_19 = arith.constant 0 : i32
      %dma_start3A_20 = tpu.memref_slice %arg5[%mul3A_2, %dma_start3A_19] : memref<10240x64xf32, #tpu.memory_space<hbm>> -> memref<640x64xf32, #tpu.memory_space<hbm>>
      tpu.enqueue_dma source(%dma_start3A_20 : memref<640x64xf32, #tpu.memory_space<hbm>>) target(%dma_start3A_18 : memref<640x64xf32, #tpu.memory_space<vmem_shared>>) target_semaphore(%run_scoped3A : memref<!tpu.dma_semaphore, #tpu.memory_space<semaphore_mem>>)
      %dma_wait3A = arith.constant 0 : i32
      %dma_wait3A_21 = tpu.memref_slice %arg10[%mul3A_4, %dma_wait3A] : memref<10240x64xf32, #tpu.memory_space<vmem_shared>> -> memref<640x64xf32, #tpu.memory_space<vmem_shared>>
      %dma_wait3A_22 = arith.constant 0 : i32
      %dma_wait3A_23 = tpu.memref_slice %arg5[%mul3A_2, %dma_wait3A_22] : memref<10240x64xf32, #tpu.memory_space<hbm>> -> memref<640x64xf32, #tpu.memory_space<hbm>>
      tpu.wait_dma2 semaphore(%run_scoped3A : memref<!tpu.dma_semaphore, #tpu.memory_space<semaphore_mem>>) src(%dma_wait3A_23 : memref<640x64xf32, #tpu.memory_space<hbm>>) dst(%dma_wait3A_21 : memref<640x64xf32, #tpu.memory_space<vmem_shared>>)
      tpu.yield
    }) : () -> ()
    %barrier3A = arith.constant 0 : index
    tpu.barrier barrier_id(%barrier3A)
    %scan3A = arith.constant 0 : i32
    %scan3A_5 = arith.constant 0 : i32
    %scan3A_6 = arith.constant 125 : i32
    %scan3A_7 = arith.addi %scan3A_5, %scan3A_6 : i32
    %scan3A_8 = arith.constant 1 : i32
    scf.for %scan3A_18 = %scan3A_5 to %scan3A_7 step %scan3A_8  : i32 {
      %mul3A_19 = arith.constant 10000 : i32
      %mul3A_20 = arith.muli %add3A, %mul3A_19 : i32
      %mul3A_21 = arith.constant 80 : i32
      %mul3A_22 = arith.muli %scan3A_18, %mul3A_21 : i32
      %add3A_23 = arith.addi %mul3A_20, %mul3A_22 : i32
      "tpu.region"() ({
        %run_scoped3A = tpu.sem_alloc : memref<!tpu.dma_semaphore, #tpu.memory_space<semaphore_mem>>
        %dma_start3A_28 = tpu.memref_slice %arg3[%add3A_23] : memref<320000xi32, #tpu.memory_space<hbm>> -> memref<80xi32, #tpu.memory_space<hbm>>
        %dma_start3A_29 = tpu.memref_slice %arg3[%add3A_23] : memref<320000xi32, #tpu.memory_space<hbm>> -> memref<80xi32, #tpu.memory_space<hbm>>
        tpu.enqueue_dma source(%dma_start3A_29 : memref<80xi32, #tpu.memory_space<hbm>>) target(%arg7 : memref<80xi32, #tpu.memory_space<vmem>>) target_semaphore(%run_scoped3A : memref<!tpu.dma_semaphore, #tpu.memory_space<semaphore_mem>>)
        %dma_wait3A_30 = tpu.memref_slice %arg3[%add3A_23] : memref<320000xi32, #tpu.memory_space<hbm>> -> memref<80xi32, #tpu.memory_space<hbm>>
        %dma_wait3A_31 = tpu.memref_slice %arg3[%add3A_23] : memref<320000xi32, #tpu.memory_space<hbm>> -> memref<80xi32, #tpu.memory_space<hbm>>
        tpu.wait_dma2 semaphore(%run_scoped3A : memref<!tpu.dma_semaphore, #tpu.memory_space<semaphore_mem>>) src(%dma_wait3A_31 : memref<80xi32, #tpu.memory_space<hbm>>) dst(%arg7 : memref<80xi32, #tpu.memory_space<vmem>>)
        tpu.yield
      }) : () -> ()
      "tpu.region"() ({
        %run_scoped3A = tpu.sem_alloc : memref<!tpu.dma_semaphore, #tpu.memory_space<semaphore_mem>>
        %dma_start3A_28 = tpu.memref_slice %arg4[%add3A_23] : memref<320000xi32, #tpu.memory_space<hbm>> -> memref<80xi32, #tpu.memory_space<hbm>>
        %dma_start3A_29 = tpu.memref_slice %arg4[%add3A_23] : memref<320000xi32, #tpu.memory_space<hbm>> -> memref<80xi32, #tpu.memory_space<hbm>>
        tpu.enqueue_dma source(%dma_start3A_29 : memref<80xi32, #tpu.memory_space<hbm>>) target(%arg8 : memref<80xi32, #tpu.memory_space<vmem>>) target_semaphore(%run_scoped3A : memref<!tpu.dma_semaphore, #tpu.memory_space<semaphore_mem>>)
        %dma_wait3A_30 = tpu.memref_slice %arg4[%add3A_23] : memref<320000xi32, #tpu.memory_space<hbm>> -> memref<80xi32, #tpu.memory_space<hbm>>
        %dma_wait3A_31 = tpu.memref_slice %arg4[%add3A_23] : memref<320000xi32, #tpu.memory_space<hbm>> -> memref<80xi32, #tpu.memory_space<hbm>>
        tpu.wait_dma2 semaphore(%run_scoped3A : memref<!tpu.dma_semaphore, #tpu.memory_space<semaphore_mem>>) src(%dma_wait3A_31 : memref<80xi32, #tpu.memory_space<hbm>>) dst(%arg8 : memref<80xi32, #tpu.memory_space<vmem>>)
        tpu.yield
      }) : () -> ()
      %dma_start3A = arith.constant 0 : i32
      %dma_start3A_24 = arith.constant 0 : i32
      %dma_start3A_25 = tpu.memref_slice %arg2[%dma_start3A, %dma_start3A_24] : memref<10000x64xf32, #tpu.memory_space<hbm>> -> memref<10000x64xf32, #tpu.memory_space<hbm>>
      tpu.enqueue_indirect_dma source(%dma_start3A_25 : memref<10000x64xf32, #tpu.memory_space<hbm>>) target(%arg9 : memref<80x64xf32, #tpu.memory_space<vmem>>) offsets(%arg7 : memref<80xi32, #tpu.memory_space<vmem>>) semaphore(%arg11 : memref<!tpu.dma_semaphore, #tpu.memory_space<semaphore_mem>>)
      %dma_wait3A = arith.constant 0 : i32
      %dma_wait3A_26 = arith.constant 0 : i32
      %dma_wait3A_27 = tpu.memref_slice %arg2[%dma_wait3A, %dma_wait3A_26] : memref<10000x64xf32, #tpu.memory_space<hbm>> -> memref<10000x64xf32, #tpu.memory_space<hbm>>
      tpu.wait_indirect_dma semaphore(%arg11 : memref<!tpu.dma_semaphore, #tpu.memory_space<semaphore_mem>>) src(%dma_wait3A_27 : memref<10000x64xf32, #tpu.memory_space<hbm>>) dst(%arg9 : memref<80x64xf32, #tpu.memory_space<vmem>>)
      "tpu.region"() ({
        %run_scoped3A = tpu.sem_alloc : memref<!tpu.dma_semaphore, #tpu.memory_space<semaphore_mem>>
        %dma_start3A_28 = arith.constant 0 : i32
        %dma_start3A_29 = arith.constant 0 : i32
        %dma_start3A_30 = tpu.memref_slice %arg10[%dma_start3A_28, %dma_start3A_29] : memref<10240x64xf32, #tpu.memory_space<vmem_shared>> -> memref<10240x64xf32, #tpu.memory_space<vmem_shared>>
        tpu.enqueue_indirect_dma source(%arg9 : memref<80x64xf32, #tpu.memory_space<vmem>>) target(%dma_start3A_30 : memref<10240x64xf32, #tpu.memory_space<vmem_shared>>) offsets(%arg8 : memref<80xi32, #tpu.memory_space<vmem>>) semaphore(%run_scoped3A : memref<!tpu.dma_semaphore, #tpu.memory_space<semaphore_mem>>) {add = true}
        %dma_wait3A_31 = arith.constant 0 : i32
        %dma_wait3A_32 = arith.constant 0 : i32
        %dma_wait3A_33 = tpu.memref_slice %arg10[%dma_wait3A_31, %dma_wait3A_32] : memref<10240x64xf32, #tpu.memory_space<vmem_shared>> -> memref<10240x64xf32, #tpu.memory_space<vmem_shared>>
        tpu.wait_indirect_dma semaphore(%run_scoped3A : memref<!tpu.dma_semaphore, #tpu.memory_space<semaphore_mem>>) src(%arg9 : memref<80x64xf32, #tpu.memory_space<vmem>>) dst(%dma_wait3A_33 : memref<10240x64xf32, #tpu.memory_space<vmem_shared>>)
        tpu.yield
      }) : () -> ()
    }
    %scan3A_9 = arith.constant 125 : i32
    %barrier3A_10 = arith.constant 0 : index
    tpu.barrier barrier_id(%barrier3A_10)
    %mul3A_11 = arith.constant 640 : i32
    %mul3A_12 = arith.muli %arg1, %mul3A_11 : i32
    %mul3A_13 = arith.constant 10240 : i32
    %mul3A_14 = arith.muli %arg0, %mul3A_13 : i32
    %mul3A_15 = arith.constant 640 : i32
    %mul3A_16 = arith.muli %arg1, %mul3A_15 : i32
    %add3A_17 = arith.addi %mul3A_14, %mul3A_16 : i32
    "tpu.region"() ({
      %run_scoped3A = tpu.sem_alloc : memref<!tpu.dma_semaphore, #tpu.memory_space<semaphore_mem>>
      %dma_start3A = arith.constant 0 : i32
      %dma_start3A_18 = tpu.memref_slice %arg6[%add3A_17, %dma_start3A] : memref<20480x64xf32, #tpu.memory_space<hbm>> -> memref<640x64xf32, #tpu.memory_space<hbm>>
      %dma_start3A_19 = arith.constant 0 : i32
      %dma_start3A_20 = tpu.memref_slice %arg10[%mul3A_12, %dma_start3A_19] : memref<10240x64xf32, #tpu.memory_space<vmem_shared>> -> memref<640x64xf32, #tpu.memory_space<vmem_shared>>
      tpu.enqueue_dma source(%dma_start3A_20 : memref<640x64xf32, #tpu.memory_space<vmem_shared>>) target(%dma_start3A_18 : memref<640x64xf32, #tpu.memory_space<hbm>>) target_semaphore(%run_scoped3A : memref<!tpu.dma_semaphore, #tpu.memory_space<semaphore_mem>>)
      %dma_wait3A = arith.constant 0 : i32
      %dma_wait3A_21 = tpu.memref_slice %arg6[%add3A_17, %dma_wait3A] : memref<20480x64xf32, #tpu.memory_space<hbm>> -> memref<640x64xf32, #tpu.memory_space<hbm>>
      %dma_wait3A_22 = arith.constant 0 : i32
      %dma_wait3A_23 = tpu.memref_slice %arg10[%mul3A_12, %dma_wait3A_22] : memref<10240x64xf32, #tpu.memory_space<vmem_shared>> -> memref<640x64xf32, #tpu.memory_space<vmem_shared>>
      tpu.wait_dma2 semaphore(%run_scoped3A : memref<!tpu.dma_semaphore, #tpu.memory_space<semaphore_mem>>) src(%dma_wait3A_23 : memref<640x64xf32, #tpu.memory_space<vmem_shared>>) dst(%dma_wait3A_21 : memref<640x64xf32, #tpu.memory_space<hbm>>)
      tpu.yield
    }) : () -> ()
    return
  }
}

module attributes {stable_mosaic.version = 14 : i64} {
  func.func @_tc_prep_body(%arg0: memref<10000x128xf32, #tpu.memory_space<vmem>>, %arg1: memref<128x64xf32, #tpu.memory_space<vmem>>, %arg2: memref<20480x16xf32, #tpu.memory_space<vmem>>, %arg3: memref<10000x64xf32, #tpu.memory_space<vmem>>, %arg4: memref<10000x1xf32, #tpu.memory_space<vmem>>) attributes {dimension_semantics = [], scalar_prefetch = 0 : i64, scratch_operands = 0 : i64, tpu.core_type = #tpu.core_type<tc>} {
    %get3A = arith.constant 0 : index
    %get3A_0 = arith.constant 0 : index
    %get3A_1 = vector.load %arg2[%get3A, %get3A_0] : memref<20480x16xf32, #tpu.memory_space<vmem>>, vector<10000x1xf32>
    %get3A_2 = arith.constant 10240 : index
    %get3A_3 = arith.constant 0 : index
    %get3A_4 = vector.load %arg2[%get3A_2, %get3A_3] : memref<20480x16xf32, #tpu.memory_space<vmem>>, vector<10000x1xf32>
    %add3A = arith.addf %get3A_1, %get3A_4 : vector<10000x1xf32>
    %add3A_5 = arith.constant 1.000000e+00 : f32
    %add3A_6 = vector.broadcast %add3A_5 : f32 to vector<10000x1xf32>
    %add3A_7 = arith.addf %add3A, %add3A_6 : vector<10000x1xf32>
    %rsqrt3A = math.rsqrt %add3A_7 : vector<10000x1xf32>
    %get3A_8 = arith.constant 0 : index
    %get3A_9 = arith.constant 0 : index
    %get3A_10 = vector.load %arg0[%get3A_8, %get3A_9] : memref<10000x128xf32, #tpu.memory_space<vmem>>, vector<10000x128xf32>
    %get3A_11 = arith.constant 0 : index
    %get3A_12 = arith.constant 0 : index
    %get3A_13 = vector.load %arg1[%get3A_11, %get3A_12] : memref<128x64xf32, #tpu.memory_space<vmem>>, vector<128x64xf32>
    %dot_general3A = arith.constant dense<0.000000e+00> : vector<10000x64xf32>
    %dot_general3A_14 = tpu.matmul %get3A_10, %get3A_13, %dot_general3A {dimension_numbers = #tpu.dot_dimension_numbers<[1], [0], [0], [1], [0, 0, 1, 1], [], []>, transpose_lhs_hint = false} : vector<10000x128xf32>, vector<128x64xf32>, vector<10000x64xf32> -> vector<10000x64xf32>
    %swap3A = arith.constant 0 : index
    %swap3A_15 = arith.constant 0 : index
    %swap3A_16 = vector.load %arg4[%swap3A, %swap3A_15] : memref<10000x1xf32, #tpu.memory_space<vmem>>, vector<10000x1xf32>
    tpu.vector_store %arg4[%swap3A, %swap3A_15], %rsqrt3A {strides = array<i32>} : memref<10000x1xf32, #tpu.memory_space<vmem>>, vector<10000x1xf32>,
    %mul3A = vector.broadcast %rsqrt3A : vector<10000x1xf32> to vector<10000x64xf32>
    %mul3A_17 = arith.mulf %dot_general3A_14, %mul3A : vector<10000x64xf32>
    %swap3A_18 = arith.constant 0 : index
    %swap3A_19 = arith.constant 0 : index
    %swap3A_20 = vector.load %arg3[%swap3A_18, %swap3A_19] : memref<10000x64xf32, #tpu.memory_space<vmem>>, vector<10000x64xf32>
    tpu.vector_store %arg3[%swap3A_18, %swap3A_19], %mul3A_17 {strides = array<i32>} : memref<10000x64xf32, #tpu.memory_space<vmem>>, vector<10000x64xf32>,
    return
  }
}

module attributes {stable_mosaic.version = 14 : i64} {
  func.func @_tc_mid_body(%arg0: memref<20480x64xf32, #tpu.memory_space<vmem>>, %arg1: memref<10000x64xf32, #tpu.memory_space<vmem>>, %arg2: memref<10000x1xf32, #tpu.memory_space<vmem>>, %arg3: memref<1x64xf32, #tpu.memory_space<vmem>>, %arg4: memref<64x64xf32, #tpu.memory_space<vmem>>, %arg5: memref<10000x64xf32, #tpu.memory_space<vmem>>) attributes {dimension_semantics = [], scalar_prefetch = 0 : i64, scratch_operands = 0 : i64, tpu.core_type = #tpu.core_type<tc>} {
    %get3A = arith.constant 0 : index
    %get3A_0 = arith.constant 0 : index
    %get3A_1 = vector.load %arg0[%get3A, %get3A_0] : memref<20480x64xf32, #tpu.memory_space<vmem>>, vector<10000x64xf32>
    %get3A_2 = arith.constant 10240 : index
    %get3A_3 = arith.constant 0 : index
    %get3A_4 = vector.load %arg0[%get3A_2, %get3A_3] : memref<20480x64xf32, #tpu.memory_space<vmem>>, vector<10000x64xf32>
    %add3A = arith.addf %get3A_1, %get3A_4 : vector<10000x64xf32>
    %get3A_5 = arith.constant 0 : index
    %get3A_6 = arith.constant 0 : index
    %get3A_7 = vector.load %arg2[%get3A_5, %get3A_6] : memref<10000x1xf32, #tpu.memory_space<vmem>>, vector<10000x1xf32>
    %get3A_8 = arith.constant 0 : index
    %get3A_9 = arith.constant 0 : index
    %get3A_10 = vector.load %arg1[%get3A_8, %get3A_9] : memref<10000x64xf32, #tpu.memory_space<vmem>>, vector<10000x64xf32>
    %add3A_11 = arith.addf %add3A, %get3A_10 : vector<10000x64xf32>
    %mul3A = vector.broadcast %get3A_7 : vector<10000x1xf32> to vector<10000x64xf32>
    %mul3A_12 = arith.mulf %mul3A, %add3A_11 : vector<10000x64xf32>
    %get3A_13 = arith.constant 0 : index
    %get3A_14 = arith.constant 0 : index
    %get3A_15 = vector.load %arg3[%get3A_13, %get3A_14] : memref<1x64xf32, #tpu.memory_space<vmem>>, vector<1x64xf32>
    %add3A_16 = vector.broadcast %get3A_15 : vector<1x64xf32> to vector<10000x64xf32>
    %add3A_17 = arith.addf %mul3A_12, %add3A_16 : vector<10000x64xf32>
    %max3A = arith.constant 0.000000e+00 : f32
    %max3A_18 = vector.broadcast %max3A : f32 to vector<10000x64xf32>
    %max3A_19 = arith.maximumf %add3A_17, %max3A_18 : vector<10000x64xf32>
    %get3A_20 = arith.constant 0 : index
    %get3A_21 = arith.constant 0 : index
    %get3A_22 = vector.load %arg4[%get3A_20, %get3A_21] : memref<64x64xf32, #tpu.memory_space<vmem>>, vector<64x64xf32>
    %dot_general3A = arith.constant dense<0.000000e+00> : vector<10000x64xf32>
    %dot_general3A_23 = tpu.matmul %max3A_19, %get3A_22, %dot_general3A {dimension_numbers = #tpu.dot_dimension_numbers<[1], [0], [0], [1], [0, 0, 1, 1], [], []>, transpose_lhs_hint = false} : vector<10000x64xf32>, vector<64x64xf32>, vector<10000x64xf32> -> vector<10000x64xf32>
    %mul3A_24 = vector.broadcast %get3A_7 : vector<10000x1xf32> to vector<10000x64xf32>
    %mul3A_25 = arith.mulf %dot_general3A_23, %mul3A_24 : vector<10000x64xf32>
    %swap3A = arith.constant 0 : index
    %swap3A_26 = arith.constant 0 : index
    %swap3A_27 = vector.load %arg5[%swap3A, %swap3A_26] : memref<10000x64xf32, #tpu.memory_space<vmem>>, vector<10000x64xf32>
    tpu.vector_store %arg5[%swap3A, %swap3A_26], %mul3A_25 {strides = array<i32>} : memref<10000x64xf32, #tpu.memory_space<vmem>>, vector<10000x64xf32>,
    return
  }
}

module attributes {stable_mosaic.version = 14 : i64} {
  func.func @_tc_final_body(%arg0: memref<20480x64xf32, #tpu.memory_space<vmem>>, %arg1: memref<10000x64xf32, #tpu.memory_space<vmem>>, %arg2: memref<10000x1xf32, #tpu.memory_space<vmem>>, %arg3: memref<1x64xf32, #tpu.memory_space<vmem>>, %arg4: memref<1x10000xi32, #tpu.memory_space<vmem>>, %arg5: memref<64x16xf32, #tpu.memory_space<vmem>>, %arg6: memref<1x16xf32, #tpu.memory_space<vmem>>, %arg7: memref<64x16xf32, #tpu.memory_space<vmem>>) attributes {dimension_semantics = [], scalar_prefetch = 0 : i64, scratch_operands = 0 : i64, tpu.core_type = #tpu.core_type<tc>} {
    %get3A = arith.constant 0 : index
    %get3A_0 = arith.constant 0 : index
    %get3A_1 = vector.load %arg0[%get3A, %get3A_0] : memref<20480x64xf32, #tpu.memory_space<vmem>>, vector<10000x64xf32>
    %get3A_2 = arith.constant 10240 : index
    %get3A_3 = arith.constant 0 : index
    %get3A_4 = vector.load %arg0[%get3A_2, %get3A_3] : memref<20480x64xf32, #tpu.memory_space<vmem>>, vector<10000x64xf32>
    %add3A = arith.addf %get3A_1, %get3A_4 : vector<10000x64xf32>
    %get3A_5 = arith.constant 0 : index
    %get3A_6 = arith.constant 0 : index
    %get3A_7 = vector.load %arg2[%get3A_5, %get3A_6] : memref<10000x1xf32, #tpu.memory_space<vmem>>, vector<10000x1xf32>
    %get3A_8 = arith.constant 0 : index
    %get3A_9 = arith.constant 0 : index
    %get3A_10 = vector.load %arg1[%get3A_8, %get3A_9] : memref<10000x64xf32, #tpu.memory_space<vmem>>, vector<10000x64xf32>
    %add3A_11 = arith.addf %add3A, %get3A_10 : vector<10000x64xf32>
    %mul3A = vector.broadcast %get3A_7 : vector<10000x1xf32> to vector<10000x64xf32>
    %mul3A_12 = arith.mulf %mul3A, %add3A_11 : vector<10000x64xf32>
    %get3A_13 = arith.constant 0 : index
    %get3A_14 = arith.constant 0 : index
    %get3A_15 = vector.load %arg3[%get3A_13, %get3A_14] : memref<1x64xf32, #tpu.memory_space<vmem>>, vector<1x64xf32>
    %add3A_16 = vector.broadcast %get3A_15 : vector<1x64xf32> to vector<10000x64xf32>
    %add3A_17 = arith.addf %mul3A_12, %add3A_16 : vector<10000x64xf32>
    %max3A = arith.constant 0.000000e+00 : f32
    %max3A_18 = vector.broadcast %max3A : f32 to vector<10000x64xf32>
    %max3A_19 = arith.maximumf %add3A_17, %max3A_18 : vector<10000x64xf32>
    %iota3A = tpu.iota {dimensions = array<i32: 0>} : vector<64x10000xi32>
    %get3A_20 = arith.constant 0 : index
    %get3A_21 = arith.constant 0 : index
    %get3A_22 = vector.load %arg4[%get3A_20, %get3A_21] : memref<1x10000xi32, #tpu.memory_space<vmem>>, vector<1x10000xi32>
    %eq3A = vector.broadcast %get3A_22 : vector<1x10000xi32> to vector<64x10000xi32>
    %eq3A_23 = arith.cmpi eq, %iota3A, %eq3A : vector<64x10000xi32>
    %convert_element_type3A = arith.extui %eq3A_23 : vector<64x10000xi1> to vector<64x10000xi32>
    %convert_element_type3A_24 = arith.sitofp %convert_element_type3A : vector<64x10000xi32> to vector<64x10000xf32>
    %dot_general3A = arith.constant dense<0.000000e+00> : vector<64x64xf32>
    %dot_general3A_25 = tpu.matmul %convert_element_type3A_24, %max3A_19, %dot_general3A {dimension_numbers = #tpu.dot_dimension_numbers<[1], [0], [0], [1], [0, 0, 1, 1], [], []>, transpose_lhs_hint = false} : vector<64x10000xf32>, vector<10000x64xf32>, vector<64x64xf32> -> vector<64x64xf32>
    %reduce_sum3A = arith.constant dense<0.000000e+00> : vector<64xf32>
    %reduce_sum3A_26 = vector.multi_reduction <add>, %convert_element_type3A_24, %reduce_sum3A [1] : vector<64x10000xf32> to vector<64xf32>
    %broadcast_in_dim3A = vector.shape_cast %reduce_sum3A_26 : vector<64xf32> to vector<64x1xf32>
    %max3A_27 = arith.constant 1.000000e+00 : f32
    %max3A_28 = vector.broadcast %max3A_27 : f32 to vector<64x1xf32>
    %max3A_29 = arith.maximumf %broadcast_in_dim3A, %max3A_28 : vector<64x1xf32>
    %div3A = vector.broadcast %max3A_29 : vector<64x1xf32> to vector<64x64xf32>
    %div3A_30 = arith.divf %dot_general3A_25, %div3A : vector<64x64xf32>
    %get3A_31 = arith.constant 0 : index
    %get3A_32 = arith.constant 0 : index
    %get3A_33 = vector.load %arg5[%get3A_31, %get3A_32] : memref<64x16xf32, #tpu.memory_space<vmem>>, vector<64x16xf32>
    %dot_general3A_34 = arith.constant dense<0.000000e+00> : vector<64x16xf32>
    %dot_general3A_35 = tpu.matmul %div3A_30, %get3A_33, %dot_general3A_34 {dimension_numbers = #tpu.dot_dimension_numbers<[1], [0], [0], [1], [0, 0, 1, 1], [], []>, transpose_lhs_hint = false} : vector<64x64xf32>, vector<64x16xf32>, vector<64x16xf32> -> vector<64x16xf32>
    %get3A_36 = arith.constant 0 : index
    %get3A_37 = arith.constant 0 : index
    %get3A_38 = vector.load %arg6[%get3A_36, %get3A_37] : memref<1x16xf32, #tpu.memory_space<vmem>>, vector<1x16xf32>
    %add3A_39 = vector.broadcast %get3A_38 : vector<1x16xf32> to vector<64x16xf32>
    %add3A_40 = arith.addf %dot_general3A_35, %add3A_39 : vector<64x16xf32>
    %swap3A = arith.constant 0 : index
    %swap3A_41 = arith.constant 0 : index
    %swap3A_42 = vector.load %arg7[%swap3A, %swap3A_41] : memref<64x16xf32, #tpu.memory_space<vmem>>, vector<64x16xf32>
    tpu.vector_store %arg7[%swap3A, %swap3A_41], %add3A_40 {strides = array<i32>} : memref<64x16xf32, #tpu.memory_space<vmem>>, vector<64x16xf32>,
    return
  }
}

</mosaic_0001>

<sc_bundles>
// kernel: kernel.11.cloned.1.call-start
scs
__scs_entry_jumppad:
0x0: {  	(pc) =	sbr.rel $0x88, $3  }
0x1: {  	(tag) =	ssettag $0x0;
	lr =	simm.s32 $0x1  }
0x2: {  	[smem:$0x3F98] =	sst lr;
	_ =	strace $0xD0000000  }
0x3: {  	_ = 	snop  }
0x4: {  	_ = 	snop  }
0x5: {  	_ = 	snop  }
0x6: {  	_ = 	snop  }
0x7: {  	_ = 	snop  }
__scs_overlays_trampoline_lowered:
0x8: {  	[smem:$0x3FA7] =	sst s0  }
0x9: {  	[smem:$0x3FA8] =	sst s1  }
0xa: {  	[smem:$0x3FA9] =	sst s2  }
0xb: {  	[smem:$0x3FAA] =	sst s3  }
0xc: {  	[smem:$0x3FAB] =	sst s4  }
0xd: {  	[smem:$0x3FAC] =	sst s5  }
0xe: {  	[smem:$0x3FAD] =	sst s6  }
0xf: {  	[smem:$0x3FAE] =	sst s7  }
0x10: {  	[smem:$0x3FAF] =	sst s8  }
0x11: {  	[smem:$0x3FB0] =	sst s9;
	s0 =	simm.s32 @!p0 $0x0  }
0x12: {  	s1 =	sld [smem:$0x3F96];
	s0 =	simm.s32 @p0 $0x1  }
0x13: {  	[smem:$0x3FB1] =	sst s0;
	s0 =	simm.s32 @!p1 $0x0  }
0x14: {  	s2 =	sld [smem:$0x3F95];
	s0 =	simm.s32 @p1 $0x1  }
0x15: {  	[smem:$0x3FB2] =	sst s0;
	s0 =	simm.s32 @!p2 $0x0  }
0x16: {  	s3 =	sld [smem:$0x3FDB];
	s0 =	simm.s32 @p2 $0x1  }
0x17: {  	s4 =	simm.s32 $0x1BF5;
	[smem:$0x3FB4] =	sst s0  }
0x18: {  	s0 =	sld [smem:$0x3F97];
	_ =	swait.ge [sflag:s4], $0x0  }
0x19: {  	s7 =	sld [smem:$0x3F98]  }
0x1a: {  	s8 =	sadd.s32 $0xFFFFE003, lr  }
0x1b: {  	s9 =	sadd.s32 $0xFFFFFEF7, lr;
	s5 =	simm.s32 $0xFFFFFFFF;
	p2 =	slt.u32 s8, $0xFFFFF086  }
0x1c: {  	p1 =	slt.u32 s9, $0xF7A;
	s5 =	simm.s32 @!p2 $0x0  }
0x1d: {  	s5 =	simm.s32 @p1 $0x1;
	p0 =	seq.s32 s7, s2  }
0x1e: {  	s7 =	smul.u32 @!p0 $0xF7A, s2;
	p2 =	seq.s32 @!p0 s5, $0x0  }
0x1f: {  	s9 =	smul.u32 $0xF7A, s1;
	s8 =	simm.s32 @!p0 $0x1BF5;
	p2 =	por !p2, p0  }
0x20: {  	[sflag:s8] =	ssyncset.s32 @!p0 $0xFFFFF086;
	s6 =	sadd.s32 @!p0 s3, s7;
	s7 =	simm.s32 @!p0 $0x108  }
0x21: {  	s3 =	sadd.s32 s3, s9;
	s6 =	sadd.s32 @!p0 $0x88, s6;
	s7 =	simm.s32 @p2 $0x1082  }
0x22: {  	[simem:s7], [sflag:s8] =	dma.local @!p0 [hbm:s6], $0xF7A  }
0x23: {  	s9 =	sor.u32 $0xD0000000, s2;
	s6 =	simm.s32 $0x108;
	_ =	swait.ge @!p0 [sflag:s8], $0x0  }
0x24: {  	s3 =	sadd.s32 $0x88, s3;
	s6 =	simm.s32 @!p1 $0x1082;
	[sflag:s4] =	ssyncset.s32 $0xFFFFF086  }
0x25: {  	[simem:s6], [sflag:s4] =	dma.local [hbm:s3], $0xF7A  }
0x26: {  	[smem:$0x3F98] =	sst s1;
	(tag) =	ssettag s2;
	_ =	strace s9  }
0x27: {  	s1 =	sld [smem:$0x3FA8]  }
0x28: {  	s2 =	sld [smem:$0x3FA9]  }
0x29: {  	s4 =	sld [smem:$0x3FAB]  }
0x2a: {  	p0 =	seq.s32 s5, $0x0;
	s5 =	sld [smem:$0x3FAC]  }
0x2b: {  	s6 =	sld [smem:$0x3FAD]  }
0x2c: {  	s7 =	sld [smem:$0x3FAE]  }
0x2d: {  	s3 =	simm.s32 $0x108;
	s8 =	sld [smem:$0x3FAF]  }
0x2e: {  	s3 =	simm.s32 @!p0 $0x1082;
	s9 =	sld [smem:$0x3FB0]  }
0x2f: {  	lr =	sadd.s32 s0, s3;
	s0 =	sld [smem:$0x3FA7]  }
0x30: {  	s3 =	sld [smem:$0x3FAA]  }
0x31: {  	[smem:$0x3FB3] =	sst s10  }
0x32: {  	s10 =	sld [smem:$0x3FB1];
	_ =	sdelay $0x3  }
0x33: {  	p0 =	seq.s32 s10, $0x1;
	s10 =	sld [smem:$0x3FB3];
	_ =	sdelay $0x3  }
0x34: {  	[smem:$0x3FB3] =	sst s10  }
0x35: {  	s10 =	sld [smem:$0x3FB2];
	_ =	sdelay $0x3  }
0x36: {  	p1 =	seq.s32 s10, $0x1;
	s10 =	sld [smem:$0x3FB3];
	_ =	sdelay $0x3  }
0x37: {  	[smem:$0x3FB3] =	sst s10  }
0x38: {  	s10 =	sld [smem:$0x3FB4]  }
0x39: {  	_ = 	snop;
	(pc) =	sbr.ind lr, $3  }
0x3a: {  	_ = 	snop  }
0x3b: {  	_ = 	snop  }
0x3c: {  	p2 =	seq.s32 s10, $0x1;
	s10 =	sld [smem:$0x3FB3]  }
0x3d: {  	_ =	shalt  }
0x3e: {  	_ =	shalt  }
0x3f: {  	_ =	shalt  }
0x40: {  	_ =	shalt  }
0x41: {  	_ =	shalt  }
0x42: {  	_ =	shalt  }
0x43: {  	_ =	shalt  }
0x44: {  	_ =	shalt  }
0x45: {  	_ =	shalt  }
0x46: {  	_ =	shalt  }
0x47: {  	_ =	shalt  }
0x48: {  	_ =	shalt  }
0x49: {  	_ =	shalt  }
0x4a: {  	_ =	shalt  }
0x4b: {  	_ =	shalt  }
0x4c: {  	_ =	shalt  }
0x4d: {  	_ =	shalt  }
0x4e: {  	_ =	shalt  }
0x4f: {  	_ =	shalt  }
0x50: {  	_ =	shalt  }
0x51: {  	_ =	shalt  }
0x52: {  	_ =	shalt  }
0x53: {  	_ =	shalt  }
0x54: {  	_ =	shalt  }
0x55: {  	_ =	shalt  }
0x56: {  	_ =	shalt  }
0x57: {  	_ =	shalt  }
0x58: {  	_ =	shalt  }
0x59: {  	_ =	shalt  }
0x5a: {  	_ =	shalt  }
0x5b: {  	_ =	shalt  }
0x5c: {  	_ =	shalt  }
0x5d: {  	_ =	shalt  }
0x5e: {  	_ =	shalt  }
0x5f: {  	_ =	shalt  }
0x60: {  	_ =	shalt  }
0x61: {  	_ =	shalt  }
0x62: {  	_ =	shalt  }
0x63: {  	_ =	shalt  }
0x64: {  	_ =	shalt  }
0x65: {  	_ =	shalt  }
0x66: {  	_ =	shalt  }
0x67: {  	_ =	shalt  }
0x68: {  	_ =	shalt  }
0x69: {  	_ =	shalt  }
0x6a: {  	_ =	shalt  }
0x6b: {  	_ =	shalt  }
0x6c: {  	_ =	shalt  }
0x6d: {  	_ =	shalt  }
0x6e: {  	_ =	shalt  }
0x6f: {  	_ =	shalt  }
0x70: {  	_ =	shalt  }
0x71: {  	_ =	shalt  }
0x72: {  	_ =	shalt  }
0x73: {  	_ =	shalt  }
0x74: {  	_ =	shalt  }
0x75: {  	_ =	shalt  }
0x76: {  	_ =	shalt  }
0x77: {  	_ =	shalt  }
0x78: {  	_ =	shalt  }
0x79: {  	_ =	shalt  }
0x7a: {  	_ =	shalt  }
0x7b: {  	_ =	shalt  }
0x7c: {  	_ =	shalt  }
0x7d: {  	_ =	shalt  }
0x7e: {  	_ =	shalt  }
0x7f: {  	_ =	shalt  }
0x80: {  	_ =	shalt  }
0x81: {  	_ =	shalt  }
0x82: {  	_ =	shalt  }
0x83: {  	_ =	shalt  }
0x84: {  	_ =	shalt  }
0x85: {  	_ =	shalt  }
0x86: {  	_ =	shalt  }
0x87: {  	_ =	shalt  }
.Lfunc_end0:
.L_simem_size_0:
called_computation.1_lowered:
.L_overlay_start_0:
0x88: {  	s2 =	sld [smem:$0x3FD9]  }
0x89: {  	s3 =	sld [smem:$0x3FFE];
	_ =	sdelay $0x1  }
0x8a: {  	s1 =	srdreg.scid  }
0x8b: {  	s0 =	sand.u32 $0x1, s1  }
0x8c: {  	s16 =	sshll.u32 s0, $0xA;
	s2 =	sadd.s32 s3, s2  }
0x8d: {  	s2 =	sadd.s32 s2, s16  }
0x8e: {  	[smem:$0x3FBF] =	sst s2  }
0x8f: {  	_ = 	snop  }
0x90: {  	(tm) =	ssettm $0x1  }
0x91: {  	s17 =	sld [smem:$0x3FFB];
	_ =	sdelay $0x3  }
0x92: {  	_ =	strace s17  }
0x93: {  	s2 =	sld [smem:$0x3FFC];
	_ =	sdelay $0x3  }
0x94: {  	_ =	strace s2  }
0x95: {  	s2 =	sld [smem:$0x3FFD];
	_ =	sdelay $0x3  }
0x96: {  	_ =	strace s2  }
0x97: {  	_ =	strace $0x8FFFFFFF  }
0x98: {  	s18 =	sld [smem:$0x3FDB];
	_ =	sdelay $0x1  }
0x99: {  	s19 =	simm.s32 $_scs_section_size  }
0x9a: {  	s4 =	simm.s32 $_size__tile_overlayer_lowered;
	s5 =	simm.s32 $_tile_overlayer_lowered  }
0x9b: {  	s22 =	simm.s32 $0x1BFF;
	s21 =	sshll.u32 s5, $0x1;
	s2 =	sadd.s32 s19, s18  }
0x9c: {  	s6 =	simm.s32 $0x0;
	s20 =	sshll.u32 s4, $0x1;
	s4 =	sadd.s32 s21, s2  }
0x9d: {  	[timem:s6], [sflag:s22] =	dma.local [hbm:s4], s20  }
0x9e: {  	_ =	swait.ge [sflag:s22], s20  }
0x9f: {  	s3 =	ssub.s32 $0x0, s20;
	[sflag:s22] =	ssyncset.done $0x0  }
0xa0: {  	[sflag:s22] =	ssyncadd.s32 s3;
	_ =	sdelay $0x1  }
0xa1: {  	s23 =	simm.s32 $0x1B8B  }
0xa2: {  	_ =	swait.ge [sflag:s23], $0x1  }
0xa3: {  	[sflag:s23] =	ssyncset.done $0x0  }
0xa4: {  	s25 =	simm.s32 $0x1B8E;
	s24 =	sld [smem:$0x3FFE];
	[sflag:s23] =	ssyncadd.s32 $0xFFFFFFFF  }
0xa5: {  	s26 =	simm.s32 $execute0_lowered;
	[smem:$0x3FD2] =	sst s25  }
0xa6: {  	s4 =	sshll.u32 s26, $0x1;
	_ =	strace $0x80000049;
	[dreg:$0x1] =	wrdreg $0xFFFFFFFF  }
0xa7: {  	s28 =	simm.s32 $_size_execute0_lowered;
	s2 =	sadd.s32 s2, s4;
	[dreg:$0x0] =	wrdreg $0x0  }
0xa8: {  	s4 =	sshll.u32 s28, $0x1;
	[dreg:$0x2] =	wrdreg s2  }
0xa9: {  	[dreg:$0x3] =	wrdreg s4  }
0xaa: {  	[dreg:$0x4] =	wrdreg $0xC0  }
0xab: {  	_ =	task [dreg:s6], $0x5FFFF  }
0xac: {  	[dreg:$0x1] =	wrdreg $0xFFFFFFFF  }
0xad: {  	[dreg:$0x0] =	wrdreg $0x60  }
0xae: {  	[dreg:$0x2] =	wrdreg s24  }
0xaf: {  	[dreg:$0x3] =	wrdreg $0x14A00  }
0xb0: {  	[dreg:$0x4] =	wrdreg $0x9  }
0xb1: {  	_ =	task.clear_ibuf [dreg:s6], $0x5FFFF;
	_ =	strace $0x90000049  }
0xb2: {  	s29 =	simm.s32 $0x9;
	_ =	strace $0x8000004B  }
0xb3: {  	_ =	swait.ge [sflag:s29], $0x1  }
0xb4: {  	[sflag:s29] =	ssyncadd.s32 $0xFFFFFFFF  }
0xb5: {  	_ =	strace $0x9000004B  }
0xb6: {  	_ =	sfence  }
0xb7: {  	s30 =	sld [smem:$0x0];
	_ =	sdelay $0x2  }
0xb8: {  	s31 =	sshll.u32 s1, $0xD;
	s1 =	sshrl.u32 s1, $0x2  }
0xb9: {  	s3 =	sand.u32 $0x4000, s31;
	s1 =	sadd.s32 s1, s30  }
0xba: {  	s0 =	sor.u32 s3, s0;
	s1 =	sshll.u32 s1, $0x11  }
0xbb: {  	s0 =	sor.u32 s1, s0  }
0xbc: {  	s0 =	sadd.s32 $0x8F2B, s0  }
0xbd: {  	[sflag:s0] =	ssyncadd.remote.s32 $0x1  }
0xbe: {  	_ =	sfence.sel $0xFFFF  }
0xbf: {  	[dreg:$0x0] =	wrdreg $0xFFFFFFFF;
	(pc) =	sbr.abs _section_cstart, $3  }
0xc0: {  	[dreg:$0x1] =	wrdreg $0xFFFFFFFF  }
0xc1: {  	_ =	task.clear_ibuf [dreg:s6], $0x2FFFF;
	_ =	strace $0x9FFFFFFF  }
0xc2: {  	(tm) =	ssettm $0x7FFFFFFF  }
0xc3: {  	_ =	shalt  }
tec
execute0_lowered:
.L_overlay_start_1:
0x0: {  	(tag) =	ssettag $0x1  }
0x1: {  	s0 =	srdreg.scid;
	s5 =	rddreg [dreg:$0x0]  }
0x2: {  	s2 =	rddreg [dreg:$0x1];
	s6 =	sand.u32 $0x1, s0  }
0x3: {  	s0 =	stileid.u32;
	s4 =	smul.u32 $0x27100, s6  }
0x4: {  	s1 =	rddreg [dreg:$0x2];
	s3 =	simm.s32 $0x0;
	s7 =	smul.u32 $0x2710, s0  }
0x5: {  	s13 =	simm.s32 $0x50;
	s14 =	simm.s32 $0xA0;
	s8 =	smul.u32 $0xA000, s0  }
0x6: {  	s15 =	simm.s32 $0x1;
	s16 =	simm.s32 $0x0;
	s26 =	smul.u32 $0x1400, s0  }
0x7: {  	[smem:$0x7FF] =	sst s3;
	s10 =	smul.u32 $0x14000, s6;
	s6 =	ssub.s32 $0x2, s6  }
0x8: {  	_ =	strace $0x8000004A;
	s31 =	sshll.u32 s0, $0x6;
	s29 =	sshrl.u32 s6, $0x1  }
0x9: {  	s4 =	sadd.s32 s7, s4;
	s28 =	sshrl.u32 s8, $0x3;
	s7 =	sadd.s32 s26, s10  }
0xa: {  	s30 =	ssub.s32 s6, s29;
	s12 =	sadd.s32 s8, s2;
	s6 =	sor.u32 $0x1C02, s31  }
0xb: {  	s9 =	sshrl.u32 s4, $0x3;
	s4 =	sadd.s32 $0x15800, s5;
	s7 =	sadd.s32 s7, s5  }
0xc: {  	s8 =	smax.u32 s30, $0x1;
	s11 =	sadd.s32 s9, s5;
	s9 =	sadd.s32 s28, s5  }
0xd: {  	s7 =	sadd.s32 $0x3D200, s7;
	s5 =	sadd.s32 $0x29200, s9;
	s9 =	sadd.s32 $0xBA00, s11  }
0xe: {  	s10 =	sadd.s32 $0x1C00, s11;
	s11 =	sshrl.u32 s12, $0x3;
	s12 =	simm.s32 $0x2  }
.LBB2_1:
0xf: {  	[spmem:s11], [sflag:s6] =	dma.local [hbm:s5], $0x1400  }
0x10: {  	_ =	swait.ge [sflag:s12], $0x1400  }
0x11: {  	[sflag:s12] =	ssyncset.done $0x0  }
0x12: {  	[sflag:s12] =	ssyncadd.s32 $0xFFFFEC00  }
0x13: {  	s17 =	sadd.s32 $0x0, s10;
	[bflag:$0x0] =	sbarrier.arrive $0xFFFF  }
0x14: {  	[tilespmem:s3], [sflag:$0x2] =	stream.linear.gather [hbm4b:s17+s3], $0x50, $0x38;
	[tilespmem:$0xB4A0] =	vst v63  }
0x15: {  	_ =	swait.ge [sflag:s12], $0x50  }
0x16: {  	[sflag:s12] =	ssyncset.done $0x0  }
0x17: {  	s31 =	sadd.s32 $0x0, s9;
	[sflag:s12] =	ssyncadd.s32 $0xFFFFFFB0  }
0x18: {  	[tilespmem:s13], [sflag:$0x2] =	stream.linear.gather [hbm4b:s31+s3], $0x50, $0x38;
	[tilespmem:$0xB4A0] =	vst v63  }
0x19: {  	_ =	swait.ge [sflag:s12], $0x50  }
0x1a: {  	[sflag:s12] =	ssyncset.done $0x0  }
0x1b: {  	[sflag:s12] =	ssyncadd.s32 $0xFFFFFFB0  }
0x1c: {  	[tilespmem:s14], [sflag:$0x1] =	stream.indirect.gather [hbm4b:s4+s13], $0x40, s3, s13, $0xb8;
	[tilespmem:$0xB4A0] =	vst v63  }
0x1d: {  	_ =	swait.ge [sflag:s15], $0x1400  }
0x1e: {  	[sflag:s15] =	ssyncset.done $0x0  }
0x1f: {  	[sflag:s15] =	ssyncadd.s32 $0xFFFFEC00  }
0x20: {  	[spmem:s2] =	stream.indirect.scatter.add.f32 [tilespmem:s14], [sflag:$0x2], $0x40, s13, s13, $0xb8;
	[tilespmem:$0xB4A0] =	vst v63  }
0x21: {  	_ =	swait.ge [sflag:s12], $0x1400  }
0x22: {  	s18 =	simm.s32 $0x14;
	s17 =	simm.s32 $0xA;
	[sflag:s12] =	ssyncset.done $0x0  }
.LBB2_2:
0x23: {  	s19 =	sadd.s32 s17, s10  }
0x24: {  	[sflag:s12] =	ssyncadd.s32 $0xFFFFEC00;
	s20 =	smov.u32 s18;
	s21 =	sadd.s32 $0xA, s18  }
0x25: {  	[tilespmem:s3], [sflag:$0x2] =	stream.linear.gather [hbm4b:s19+s3], $0x50, $0x38;
	[tilespmem:$0xB4A0] =	vst v63  }
0x26: {  	p0 =	sne.s32 s18, $0x4D8;
	_ =	swait.ge [sflag:s12], $0x50  }
0x27: {  	[sflag:s12] =	ssyncset.done $0x0  }
0x28: {  	s18 =	sadd.s32 s17, s9;
	s17 =	smov.u32 s20;
	[sflag:s12] =	ssyncadd.s32 $0xFFFFFFB0  }
0x29: {  	[tilespmem:s13], [sflag:$0x2] =	stream.linear.gather [hbm4b:s18+s3], $0x50, $0x38;
	[tilespmem:$0xB4A0] =	vst v63  }
0x2a: {  	_ =	swait.ge [sflag:s12], $0x50  }
0x2b: {  	[sflag:s12] =	ssyncset.done $0x0  }
0x2c: {  	[sflag:s12] =	ssyncadd.s32 $0xFFFFFFB0  }
0x2d: {  	[tilespmem:s14], [sflag:$0x1] =	stream.indirect.gather [hbm4b:s4+s13], $0x40, s3, s13, $0xb8;
	[tilespmem:$0xB4A0] =	vst v63  }
0x2e: {  	_ =	swait.ge [sflag:s15], $0x1400  }
.Ltmp0:
0x2f: {  	[sflag:s15] =	ssyncset.done $0x0;
	(pc) =	sbr.rel @p0 .LBB2_2-.Ltmp0, $4  }
0x30: {  	[sflag:s15] =	ssyncadd.s32 $0xFFFFEC00  }
0x31: {  	[spmem:s2] =	stream.indirect.scatter.add.f32 [tilespmem:s14], [sflag:$0x2], $0x40, s13, s13, $0xb8;
	[tilespmem:$0xB4A0] =	vst v63  }
0x32: {  	_ =	swait.ge [sflag:s12], $0x1400  }
0x33: {  	s18 =	smov.u32 s21;
	[sflag:s12] =	ssyncset.done $0x0  }
0x34: {  	s18 =	sadd.s32 s17, s10;
	[sflag:s12] =	ssyncadd.s32 $0xFFFFEC00  }
0x35: {  	[tilespmem:s3], [sflag:$0x2] =	stream.linear.gather [hbm4b:s18+s3], $0x50, $0x38;
	[tilespmem:$0xB4A0] =	vst v63  }
0x36: {  	_ =	swait.ge [sflag:s12], $0x50  }
0x37: {  	[sflag:s12] =	ssyncset.done $0x0  }
0x38: {  	s31 =	sadd.s32 s17, s9;
	[sflag:s12] =	ssyncadd.s32 $0xFFFFFFB0  }
0x39: {  	[tilespmem:s13], [sflag:$0x2] =	stream.linear.gather [hbm4b:s31+s3], $0x50, $0x38;
	[tilespmem:$0xB4A0] =	vst v63  }
0x3a: {  	_ =	swait.ge [sflag:s12], $0x50  }
0x3b: {  	[sflag:s12] =	ssyncset.done $0x0  }
0x3c: {  	[sflag:s12] =	ssyncadd.s32 $0xFFFFFFB0  }
0x3d: {  	[tilespmem:s14], [sflag:$0x1] =	stream.indirect.gather [hbm4b:s4+s13], $0x40, s3, s13, $0xb8;
	[tilespmem:$0xB4A0] =	vst v63  }
0x3e: {  	_ =	swait.ge [sflag:s15], $0x1400  }
0x3f: {  	[sflag:s15] =	ssyncset.done $0x0  }
0x40: {  	[sflag:s15] =	ssyncadd.s32 $0xFFFFEC00  }
0x41: {  	[spmem:s2] =	stream.indirect.scatter.add.f32 [tilespmem:s14], [sflag:$0x2], $0x40, s13, s13, $0xb8;
	[tilespmem:$0xB4A0] =	vst v63  }
0x42: {  	_ =	swait.ge [sflag:s12], $0x1400  }
0x43: {  	s16 =	sadd.s32 $0x1, s16;
	[sflag:s12] =	ssyncset.done $0x0  }
0x44: {  	p0 =	sne.s32 s16, s8;
	[sflag:s12] =	ssyncadd.s32 $0xFFFFEC00  }
.Ltmp1:
0x45: {  	[bflag:$0x0] =	sbarrier.arrive $0xFFFF;
	(pc) =	sbr.rel @p0 .LBB2_1-.Ltmp1, $4  }
0x46: {  	[hbm:s7], [sflag:s6] =	dma.local [spmem:s11], $0x1400  }
0x47: {  	_ =	swait.ge [sflag:s12], $0x1400  }
0x48: {  	[sflag:s12] =	ssyncset.done $0x0  }
0x49: {  	[sflag:s12] =	ssyncadd.s32 $0xFFFFEC00  }
0x4a: {  	_ =	sfence.sel $0x180000  }
0x4b: {  	[bflag:$0x0] =	sbarrier.arrive $0xFFFF  }
0x4c: {  	p0 =	sne.s32 s0, $0x0;
	_ =	strace $0x9000004A  }
0x4d: {  	s0 =	sadd.s32 @!p0 $0x100000, s1;
	[bflag:$0x2] =	sbarrier.arrive $0xFFFF  }
0x4e: {  	[sflag:s0] =	ssyncadd.tile.s32 @!p0 $0x1;
	_ =	shalt  }
.Lfunc_end2:
_tile_overlayer_lowered:
.L_overlay_start_2:
0x4f: {  	(tag) =	ssettag $0x2  }
0x50: {  	s0 =	rddreg [dreg:$0x0];
	s2 =	stileid.u32  }
0x51: {  	s1 =	rddreg [dreg:$0x1];
	p0 =	sne.s32 s2, $0x0  }
0x52: {  	s3 =	rddreg [dreg:$0x2];
	[bflag:$0x3] =	sbarrier.arrive $0xFFFF;
	s2 =	simm.s32 @!p0 $0x1C02  }
0x53: {  	[timem:s3], [sflag:s2] =	dma.local @!p0 [hbm:s0], s1  }
0x54: {  	s0 =	simm.s32 @!p0 $0x2  }
0x55: {  	_ =	swait.ge @!p0 [sflag:s0], s1  }
0x56: {  	s1 =	ssub.s32 @!p0 $0x0, s1;
	[sflag:s0] =	ssyncset.done @!p0 $0x0  }
0x57: {  	[sflag:s0] =	ssyncadd.s32 @!p0 s1  }
0x58: {  	[bflag:$0x3] =	sbarrier.arrive $0xFFFF  }
0x59: {  	_ =	shalt  }

// kernel: kernel.14.cloned.1.call-start
scs
__scs_entry_jumppad:
0x0: {  	(pc) =	sbr.rel $0x88, $3  }
0x1: {  	(tag) =	ssettag $0x0;
	lr =	simm.s32 $0x1  }
0x2: {  	[smem:$0x3F98] =	sst lr;
	_ =	strace $0xD0000000  }
0x3: {  	_ = 	snop  }
0x4: {  	_ = 	snop  }
0x5: {  	_ = 	snop  }
0x6: {  	_ = 	snop  }
0x7: {  	_ = 	snop  }
__scs_overlays_trampoline_lowered:
0x8: {  	[smem:$0x3FA7] =	sst s0  }
0x9: {  	[smem:$0x3FA8] =	sst s1  }
0xa: {  	[smem:$0x3FA9] =	sst s2  }
0xb: {  	[smem:$0x3FAA] =	sst s3  }
0xc: {  	[smem:$0x3FAB] =	sst s4  }
0xd: {  	[smem:$0x3FAC] =	sst s5  }
0xe: {  	[smem:$0x3FAD] =	sst s6  }
0xf: {  	[smem:$0x3FAE] =	sst s7  }
0x10: {  	[smem:$0x3FAF] =	sst s8  }
0x11: {  	[smem:$0x3FB0] =	sst s9;
	s0 =	simm.s32 @!p0 $0x0  }
0x12: {  	s1 =	sld [smem:$0x3F96];
	s0 =	simm.s32 @p0 $0x1  }
0x13: {  	[smem:$0x3FB1] =	sst s0;
	s0 =	simm.s32 @!p1 $0x0  }
0x14: {  	s2 =	sld [smem:$0x3F95];
	s0 =	simm.s32 @p1 $0x1  }
0x15: {  	[smem:$0x3FB2] =	sst s0;
	s0 =	simm.s32 @!p2 $0x0  }
0x16: {  	s3 =	sld [smem:$0x3FDB];
	s0 =	simm.s32 @p2 $0x1  }
0x17: {  	s4 =	simm.s32 $0x1BF5;
	[smem:$0x3FB4] =	sst s0  }
0x18: {  	s0 =	sld [smem:$0x3F97];
	_ =	swait.ge [sflag:s4], $0x0  }
0x19: {  	s7 =	sld [smem:$0x3F98]  }
0x1a: {  	s8 =	sadd.s32 $0xFFFFE003, lr  }
0x1b: {  	s9 =	sadd.s32 $0xFFFFFEF7, lr;
	s5 =	simm.s32 $0xFFFFFFFF;
	p2 =	slt.u32 s8, $0xFFFFF086  }
0x1c: {  	p1 =	slt.u32 s9, $0xF7A;
	s5 =	simm.s32 @!p2 $0x0  }
0x1d: {  	s5 =	simm.s32 @p1 $0x1;
	p0 =	seq.s32 s7, s2  }
0x1e: {  	s7 =	smul.u32 @!p0 $0xF7A, s2;
	p2 =	seq.s32 @!p0 s5, $0x0  }
0x1f: {  	s9 =	smul.u32 $0xF7A, s1;
	s8 =	simm.s32 @!p0 $0x1BF5;
	p2 =	por !p2, p0  }
0x20: {  	[sflag:s8] =	ssyncset.s32 @!p0 $0xFFFFF086;
	s6 =	sadd.s32 @!p0 s3, s7;
	s7 =	simm.s32 @!p0 $0x108  }
0x21: {  	s3 =	sadd.s32 s3, s9;
	s6 =	sadd.s32 @!p0 $0x88, s6;
	s7 =	simm.s32 @p2 $0x1082  }
0x22: {  	[simem:s7], [sflag:s8] =	dma.local @!p0 [hbm:s6], $0xF7A  }
0x23: {  	s9 =	sor.u32 $0xD0000000, s2;
	s6 =	simm.s32 $0x108;
	_ =	swait.ge @!p0 [sflag:s8], $0x0  }
0x24: {  	s3 =	sadd.s32 $0x88, s3;
	s6 =	simm.s32 @!p1 $0x1082;
	[sflag:s4] =	ssyncset.s32 $0xFFFFF086  }
0x25: {  	[simem:s6], [sflag:s4] =	dma.local [hbm:s3], $0xF7A  }
0x26: {  	[smem:$0x3F98] =	sst s1;
	(tag) =	ssettag s2;
	_ =	strace s9  }
0x27: {  	s1 =	sld [smem:$0x3FA8]  }
0x28: {  	s2 =	sld [smem:$0x3FA9]  }
0x29: {  	s4 =	sld [smem:$0x3FAB]  }
0x2a: {  	p0 =	seq.s32 s5, $0x0;
	s5 =	sld [smem:$0x3FAC]  }
0x2b: {  	s6 =	sld [smem:$0x3FAD]  }
0x2c: {  	s7 =	sld [smem:$0x3FAE]  }
0x2d: {  	s3 =	simm.s32 $0x108;
	s8 =	sld [smem:$0x3FAF]  }
0x2e: {  	s3 =	simm.s32 @!p0 $0x1082;
	s9 =	sld [smem:$0x3FB0]  }
0x2f: {  	lr =	sadd.s32 s0, s3;
	s0 =	sld [smem:$0x3FA7]  }
0x30: {  	s3 =	sld [smem:$0x3FAA]  }
0x31: {  	[smem:$0x3FB3] =	sst s10  }
0x32: {  	s10 =	sld [smem:$0x3FB1];
	_ =	sdelay $0x3  }
0x33: {  	p0 =	seq.s32 s10, $0x1;
	s10 =	sld [smem:$0x3FB3];
	_ =	sdelay $0x3  }
0x34: {  	[smem:$0x3FB3] =	sst s10  }
0x35: {  	s10 =	sld [smem:$0x3FB2];
	_ =	sdelay $0x3  }
0x36: {  	p1 =	seq.s32 s10, $0x1;
	s10 =	sld [smem:$0x3FB3];
	_ =	sdelay $0x3  }
0x37: {  	[smem:$0x3FB3] =	sst s10  }
0x38: {  	s10 =	sld [smem:$0x3FB4]  }
0x39: {  	_ = 	snop;
	(pc) =	sbr.ind lr, $3  }
0x3a: {  	_ = 	snop  }
0x3b: {  	_ = 	snop  }
0x3c: {  	p2 =	seq.s32 s10, $0x1;
	s10 =	sld [smem:$0x3FB3]  }
0x3d: {  	_ =	shalt  }
0x3e: {  	_ =	shalt  }
0x3f: {  	_ =	shalt  }
0x40: {  	_ =	shalt  }
0x41: {  	_ =	shalt  }
0x42: {  	_ =	shalt  }
0x43: {  	_ =	shalt  }
0x44: {  	_ =	shalt  }
0x45: {  	_ =	shalt  }
0x46: {  	_ =	shalt  }
0x47: {  	_ =	shalt  }
0x48: {  	_ =	shalt  }
0x49: {  	_ =	shalt  }
0x4a: {  	_ =	shalt  }
0x4b: {  	_ =	shalt  }
0x4c: {  	_ =	shalt  }
0x4d: {  	_ =	shalt  }
0x4e: {  	_ =	shalt  }
0x4f: {  	_ =	shalt  }
0x50: {  	_ =	shalt  }
0x51: {  	_ =	shalt  }
0x52: {  	_ =	shalt  }
0x53: {  	_ =	shalt  }
0x54: {  	_ =	shalt  }
0x55: {  	_ =	shalt  }
0x56: {  	_ =	shalt  }
0x57: {  	_ =	shalt  }
0x58: {  	_ =	shalt  }
0x59: {  	_ =	shalt  }
0x5a: {  	_ =	shalt  }
0x5b: {  	_ =	shalt  }
0x5c: {  	_ =	shalt  }
0x5d: {  	_ =	shalt  }
0x5e: {  	_ =	shalt  }
0x5f: {  	_ =	shalt  }
0x60: {  	_ =	shalt  }
0x61: {  	_ =	shalt  }
0x62: {  	_ =	shalt  }
0x63: {  	_ =	shalt  }
0x64: {  	_ =	shalt  }
0x65: {  	_ =	shalt  }
0x66: {  	_ =	shalt  }
0x67: {  	_ =	shalt  }
0x68: {  	_ =	shalt  }
0x69: {  	_ =	shalt  }
0x6a: {  	_ =	shalt  }
0x6b: {  	_ =	shalt  }
0x6c: {  	_ =	shalt  }
0x6d: {  	_ =	shalt  }
0x6e: {  	_ =	shalt  }
0x6f: {  	_ =	shalt  }
0x70: {  	_ =	shalt  }
0x71: {  	_ =	shalt  }
0x72: {  	_ =	shalt  }
0x73: {  	_ =	shalt  }
0x74: {  	_ =	shalt  }
0x75: {  	_ =	shalt  }
0x76: {  	_ =	shalt  }
0x77: {  	_ =	shalt  }
0x78: {  	_ =	shalt  }
0x79: {  	_ =	shalt  }
0x7a: {  	_ =	shalt  }
0x7b: {  	_ =	shalt  }
0x7c: {  	_ =	shalt  }
0x7d: {  	_ =	shalt  }
0x7e: {  	_ =	shalt  }
0x7f: {  	_ =	shalt  }
0x80: {  	_ =	shalt  }
0x81: {  	_ =	shalt  }
0x82: {  	_ =	shalt  }
0x83: {  	_ =	shalt  }
0x84: {  	_ =	shalt  }
0x85: {  	_ =	shalt  }
0x86: {  	_ =	shalt  }
0x87: {  	_ =	shalt  }
.Lfunc_end0:
.L_simem_size_0:
called_computation.2_lowered:
.L_overlay_start_0:
0x88: {  	s2 =	sld [smem:$0x3FD9]  }
0x89: {  	s3 =	sld [smem:$0x3FFE];
	_ =	sdelay $0x1  }
0x8a: {  	s1 =	srdreg.scid  }
0x8b: {  	s0 =	sand.u32 $0x1, s1  }
0x8c: {  	s16 =	sshll.u32 s0, $0xA;
	s2 =	sadd.s32 s3, s2  }
0x8d: {  	s2 =	sadd.s32 s2, s16  }
0x8e: {  	[smem:$0x3FBF] =	sst s2  }
0x8f: {  	_ = 	snop  }
0x90: {  	(tm) =	ssettm $0x1  }
0x91: {  	s17 =	sld [smem:$0x3FFB];
	_ =	sdelay $0x3  }
0x92: {  	_ =	strace s17  }
0x93: {  	s2 =	sld [smem:$0x3FFC];
	_ =	sdelay $0x3  }
0x94: {  	_ =	strace s2  }
0x95: {  	s2 =	sld [smem:$0x3FFD];
	_ =	sdelay $0x3  }
0x96: {  	_ =	strace s2  }
0x97: {  	_ =	strace $0x8FFFFFFF  }
0x98: {  	s18 =	sld [smem:$0x3FDB];
	_ =	sdelay $0x1  }
0x99: {  	s19 =	simm.s32 $_scs_section_size  }
0x9a: {  	s4 =	simm.s32 $_size__tile_overlayer_lowered;
	s5 =	simm.s32 $_tile_overlayer_lowered  }
0x9b: {  	s22 =	simm.s32 $0x1BFF;
	s21 =	sshll.u32 s5, $0x1;
	s2 =	sadd.s32 s19, s18  }
0x9c: {  	s6 =	simm.s32 $0x0;
	s20 =	sshll.u32 s4, $0x1;
	s4 =	sadd.s32 s21, s2  }
0x9d: {  	[timem:s6], [sflag:s22] =	dma.local [hbm:s4], s20  }
0x9e: {  	_ =	swait.ge [sflag:s22], s20  }
0x9f: {  	s3 =	ssub.s32 $0x0, s20;
	[sflag:s22] =	ssyncset.done $0x0  }
0xa0: {  	[sflag:s22] =	ssyncadd.s32 s3;
	_ =	sdelay $0x1  }
0xa1: {  	s23 =	simm.s32 $0x1B8B  }
0xa2: {  	_ =	swait.ge [sflag:s23], $0x1  }
0xa3: {  	[sflag:s23] =	ssyncset.done $0x0  }
0xa4: {  	s25 =	simm.s32 $0x1B8E;
	s24 =	sld [smem:$0x3FFE];
	[sflag:s23] =	ssyncadd.s32 $0xFFFFFFFF  }
0xa5: {  	s26 =	simm.s32 $execute0_lowered;
	[smem:$0x3FD2] =	sst s25  }
0xa6: {  	s4 =	sshll.u32 s26, $0x1;
	_ =	strace $0x8000004C;
	[dreg:$0x1] =	wrdreg $0xFFFFFFFF  }
0xa7: {  	s28 =	simm.s32 $_size_execute0_lowered;
	s2 =	sadd.s32 s2, s4;
	[dreg:$0x0] =	wrdreg $0x0  }
0xa8: {  	s4 =	sshll.u32 s28, $0x1;
	[dreg:$0x2] =	wrdreg s2  }
0xa9: {  	[dreg:$0x3] =	wrdreg s4  }
0xaa: {  	[dreg:$0x4] =	wrdreg $0xC0  }
0xab: {  	_ =	task [dreg:s6], $0x5FFFF  }
0xac: {  	[dreg:$0x1] =	wrdreg $0xFFFFFFFF  }
0xad: {  	[dreg:$0x0] =	wrdreg $0x60  }
0xae: {  	[dreg:$0x2] =	wrdreg s24  }
0xaf: {  	[dreg:$0x3] =	wrdreg $0x14A00  }
0xb0: {  	[dreg:$0x4] =	wrdreg $0x9  }
0xb1: {  	_ =	task.clear_ibuf [dreg:s6], $0x5FFFF;
	_ =	strace $0x9000004C  }
0xb2: {  	s29 =	simm.s32 $0x9;
	_ =	strace $0x8000004E  }
0xb3: {  	_ =	swait.ge [sflag:s29], $0x1  }
0xb4: {  	[sflag:s29] =	ssyncadd.s32 $0xFFFFFFFF  }
0xb5: {  	_ =	strace $0x9000004E  }
0xb6: {  	_ =	sfence  }
0xb7: {  	s30 =	sld [smem:$0x0];
	_ =	sdelay $0x2  }
0xb8: {  	s31 =	sshll.u32 s1, $0xD;
	s1 =	sshrl.u32 s1, $0x2  }
0xb9: {  	s3 =	sand.u32 $0x4000, s31;
	s1 =	sadd.s32 s1, s30  }
0xba: {  	s0 =	sor.u32 s3, s0;
	s1 =	sshll.u32 s1, $0x11  }
0xbb: {  	s0 =	sor.u32 s1, s0  }
0xbc: {  	s0 =	sadd.s32 $0x8F2B, s0  }
0xbd: {  	[sflag:s0] =	ssyncadd.remote.s32 $0x1  }
0xbe: {  	_ =	sfence.sel $0xFFFF  }
0xbf: {  	[dreg:$0x0] =	wrdreg $0xFFFFFFFF;
	(pc) =	sbr.abs _section_cstart, $3  }
0xc0: {  	[dreg:$0x1] =	wrdreg $0xFFFFFFFF  }
0xc1: {  	_ =	task.clear_ibuf [dreg:s6], $0x2FFFF;
	_ =	strace $0x9FFFFFFF  }
0xc2: {  	(tm) =	ssettm $0x7FFFFFFF  }
0xc3: {  	_ =	shalt  }
tec
execute0_lowered:
.L_overlay_start_1:
0x0: {  	(tag) =	ssettag $0x1  }
0x1: {  	s0 =	srdreg.scid;
	s5 =	rddreg [dreg:$0x0]  }
0x2: {  	s2 =	rddreg [dreg:$0x1];
	s6 =	sand.u32 $0x1, s0  }
0x3: {  	s0 =	stileid.u32;
	s4 =	smul.u32 $0x27100, s6  }
0x4: {  	s1 =	rddreg [dreg:$0x2];
	s3 =	simm.s32 $0x0;
	s7 =	smul.u32 $0x2710, s0  }
0x5: {  	s13 =	simm.s32 $0x50;
	s14 =	simm.s32 $0xA0;
	s8 =	smul.u32 $0xA000, s0  }
0x6: {  	s15 =	simm.s32 $0x1;
	s16 =	simm.s32 $0x0;
	s26 =	smul.u32 $0x1400, s0  }
0x7: {  	[smem:$0x7FF] =	sst s3;
	s10 =	smul.u32 $0x14000, s6;
	s6 =	ssub.s32 $0x2, s6  }
0x8: {  	_ =	strace $0x8000004D;
	s31 =	sshll.u32 s0, $0x6;
	s29 =	sshrl.u32 s6, $0x1  }
0x9: {  	s4 =	sadd.s32 s7, s4;
	s28 =	sshrl.u32 s8, $0x3;
	s7 =	sadd.s32 s26, s10  }
0xa: {  	s30 =	ssub.s32 s6, s29;
	s12 =	sadd.s32 s8, s2;
	s6 =	sor.u32 $0x1C02, s31  }
0xb: {  	s9 =	sshrl.u32 s4, $0x3;
	s4 =	sadd.s32 $0x15800, s5;
	s7 =	sadd.s32 s7, s5  }
0xc: {  	s8 =	smax.u32 s30, $0x1;
	s11 =	sadd.s32 s9, s5;
	s9 =	sadd.s32 s28, s5  }
0xd: {  	s7 =	sadd.s32 $0x3D200, s7;
	s5 =	sadd.s32 $0x29200, s9;
	s9 =	sadd.s32 $0xBA00, s11  }
0xe: {  	s10 =	sadd.s32 $0x1C00, s11;
	s11 =	sshrl.u32 s12, $0x3;
	s12 =	simm.s32 $0x2  }
.LBB2_1:
0xf: {  	[spmem:s11], [sflag:s6] =	dma.local [hbm:s5], $0x1400  }
0x10: {  	_ =	swait.ge [sflag:s12], $0x1400  }
0x11: {  	[sflag:s12] =	ssyncset.done $0x0  }
0x12: {  	[sflag:s12] =	ssyncadd.s32 $0xFFFFEC00  }
0x13: {  	s17 =	sadd.s32 $0x0, s10;
	[bflag:$0x0] =	sbarrier.arrive $0xFFFF  }
0x14: {  	[tilespmem:s3], [sflag:$0x2] =	stream.linear.gather [hbm4b:s17+s3], $0x50, $0x38;
	[tilespmem:$0xB4A0] =	vst v63  }
0x15: {  	_ =	swait.ge [sflag:s12], $0x50  }
0x16: {  	[sflag:s12] =	ssyncset.done $0x0  }
0x17: {  	s31 =	sadd.s32 $0x0, s9;
	[sflag:s12] =	ssyncadd.s32 $0xFFFFFFB0  }
0x18: {  	[tilespmem:s13], [sflag:$0x2] =	stream.linear.gather [hbm4b:s31+s3], $0x50, $0x38;
	[tilespmem:$0xB4A0] =	vst v63  }
0x19: {  	_ =	swait.ge [sflag:s12], $0x50  }
0x1a: {  	[sflag:s12] =	ssyncset.done $0x0  }
0x1b: {  	[sflag:s12] =	ssyncadd.s32 $0xFFFFFFB0  }
0x1c: {  	[tilespmem:s14], [sflag:$0x1] =	stream.indirect.gather [hbm4b:s4+s13], $0x40, s3, s13, $0xb8;
	[tilespmem:$0xB4A0] =	vst v63  }
0x1d: {  	_ =	swait.ge [sflag:s15], $0x1400  }
0x1e: {  	[sflag:s15] =	ssyncset.done $0x0  }
0x1f: {  	[sflag:s15] =	ssyncadd.s32 $0xFFFFEC00  }
0x20: {  	[spmem:s2] =	stream.indirect.scatter.add.f32 [tilespmem:s14], [sflag:$0x2], $0x40, s13, s13, $0xb8;
	[tilespmem:$0xB4A0] =	vst v63  }
0x21: {  	_ =	swait.ge [sflag:s12], $0x1400  }
0x22: {  	s18 =	simm.s32 $0x14;
	s17 =	simm.s32 $0xA;
	[sflag:s12] =	ssyncset.done $0x0  }
.LBB2_2:
0x23: {  	s19 =	sadd.s32 s17, s10  }
0x24: {  	[sflag:s12] =	ssyncadd.s32 $0xFFFFEC00;
	s20 =	smov.u32 s18;
	s21 =	sadd.s32 $0xA, s18  }
0x25: {  	[tilespmem:s3], [sflag:$0x2] =	stream.linear.gather [hbm4b:s19+s3], $0x50, $0x38;
	[tilespmem:$0xB4A0] =	vst v63  }
0x26: {  	p0 =	sne.s32 s18, $0x4D8;
	_ =	swait.ge [sflag:s12], $0x50  }
0x27: {  	[sflag:s12] =	ssyncset.done $0x0  }
0x28: {  	s18 =	sadd.s32 s17, s9;
	s17 =	smov.u32 s20;
	[sflag:s12] =	ssyncadd.s32 $0xFFFFFFB0  }
0x29: {  	[tilespmem:s13], [sflag:$0x2] =	stream.linear.gather [hbm4b:s18+s3], $0x50, $0x38;
	[tilespmem:$0xB4A0] =	vst v63  }
0x2a: {  	_ =	swait.ge [sflag:s12], $0x50  }
0x2b: {  	[sflag:s12] =	ssyncset.done $0x0  }
0x2c: {  	[sflag:s12] =	ssyncadd.s32 $0xFFFFFFB0  }
0x2d: {  	[tilespmem:s14], [sflag:$0x1] =	stream.indirect.gather [hbm4b:s4+s13], $0x40, s3, s13, $0xb8;
	[tilespmem:$0xB4A0] =	vst v63  }
0x2e: {  	_ =	swait.ge [sflag:s15], $0x1400  }
.Ltmp0:
0x2f: {  	[sflag:s15] =	ssyncset.done $0x0;
	(pc) =	sbr.rel @p0 .LBB2_2-.Ltmp0, $4  }
0x30: {  	[sflag:s15] =	ssyncadd.s32 $0xFFFFEC00  }
0x31: {  	[spmem:s2] =	stream.indirect.scatter.add.f32 [tilespmem:s14], [sflag:$0x2], $0x40, s13, s13, $0xb8;
	[tilespmem:$0xB4A0] =	vst v63  }
0x32: {  	_ =	swait.ge [sflag:s12], $0x1400  }
0x33: {  	s18 =	smov.u32 s21;
	[sflag:s12] =	ssyncset.done $0x0  }
0x34: {  	s18 =	sadd.s32 s17, s10;
	[sflag:s12] =	ssyncadd.s32 $0xFFFFEC00  }
0x35: {  	[tilespmem:s3], [sflag:$0x2] =	stream.linear.gather [hbm4b:s18+s3], $0x50, $0x38;
	[tilespmem:$0xB4A0] =	vst v63  }
0x36: {  	_ =	swait.ge [sflag:s12], $0x50  }
0x37: {  	[sflag:s12] =	ssyncset.done $0x0  }
0x38: {  	s31 =	sadd.s32 s17, s9;
	[sflag:s12] =	ssyncadd.s32 $0xFFFFFFB0  }
0x39: {  	[tilespmem:s13], [sflag:$0x2] =	stream.linear.gather [hbm4b:s31+s3], $0x50, $0x38;
	[tilespmem:$0xB4A0] =	vst v63  }
0x3a: {  	_ =	swait.ge [sflag:s12], $0x50  }
0x3b: {  	[sflag:s12] =	ssyncset.done $0x0  }
0x3c: {  	[sflag:s12] =	ssyncadd.s32 $0xFFFFFFB0  }
0x3d: {  	[tilespmem:s14], [sflag:$0x1] =	stream.indirect.gather [hbm4b:s4+s13], $0x40, s3, s13, $0xb8;
	[tilespmem:$0xB4A0] =	vst v63  }
0x3e: {  	_ =	swait.ge [sflag:s15], $0x1400  }
0x3f: {  	[sflag:s15] =	ssyncset.done $0x0  }
0x40: {  	[sflag:s15] =	ssyncadd.s32 $0xFFFFEC00  }
0x41: {  	[spmem:s2] =	stream.indirect.scatter.add.f32 [tilespmem:s14], [sflag:$0x2], $0x40, s13, s13, $0xb8;
	[tilespmem:$0xB4A0] =	vst v63  }
0x42: {  	_ =	swait.ge [sflag:s12], $0x1400  }
0x43: {  	s16 =	sadd.s32 $0x1, s16;
	[sflag:s12] =	ssyncset.done $0x0  }
0x44: {  	p0 =	sne.s32 s16, s8;
	[sflag:s12] =	ssyncadd.s32 $0xFFFFEC00  }
.Ltmp1:
0x45: {  	[bflag:$0x0] =	sbarrier.arrive $0xFFFF;
	(pc) =	sbr.rel @p0 .LBB2_1-.Ltmp1, $4  }
0x46: {  	[hbm:s7], [sflag:s6] =	dma.local [spmem:s11], $0x1400  }
0x47: {  	_ =	swait.ge [sflag:s12], $0x1400  }
0x48: {  	[sflag:s12] =	ssyncset.done $0x0  }
0x49: {  	[sflag:s12] =	ssyncadd.s32 $0xFFFFEC00  }
0x4a: {  	_ =	sfence.sel $0x180000  }
0x4b: {  	[bflag:$0x0] =	sbarrier.arrive $0xFFFF  }
0x4c: {  	p0 =	sne.s32 s0, $0x0;
	_ =	strace $0x9000004D  }
0x4d: {  	s0 =	sadd.s32 @!p0 $0x100000, s1;
	[bflag:$0x2] =	sbarrier.arrive $0xFFFF  }
0x4e: {  	[sflag:s0] =	ssyncadd.tile.s32 @!p0 $0x1;
	_ =	shalt  }
.Lfunc_end2:
_tile_overlayer_lowered:
.L_overlay_start_2:
0x4f: {  	(tag) =	ssettag $0x2  }
0x50: {  	s0 =	rddreg [dreg:$0x0];
	s2 =	stileid.u32  }
0x51: {  	s1 =	rddreg [dreg:$0x1];
	p0 =	sne.s32 s2, $0x0  }
0x52: {  	s3 =	rddreg [dreg:$0x2];
	[bflag:$0x3] =	sbarrier.arrive $0xFFFF;
	s2 =	simm.s32 @!p0 $0x1C02  }
0x53: {  	[timem:s3], [sflag:s2] =	dma.local @!p0 [hbm:s0], s1  }
0x54: {  	s0 =	simm.s32 @!p0 $0x2  }
0x55: {  	_ =	swait.ge @!p0 [sflag:s0], s1  }
0x56: {  	s1 =	ssub.s32 @!p0 $0x0, s1;
	[sflag:s0] =	ssyncset.done @!p0 $0x0  }
0x57: {  	[sflag:s0] =	ssyncadd.s32 @!p0 s1  }
0x58: {  	[bflag:$0x3] =	sbarrier.arrive $0xFFFF  }
0x59: {  	_ =	shalt  }

// kernel: kernel.8.cloned.1.call-start
scs
__scs_entry_jumppad:
0x0: {  	(pc) =	sbr.rel $0x88, $3  }
0x1: {  	(tag) =	ssettag $0x0;
	lr =	simm.s32 $0x1  }
0x2: {  	[smem:$0x3F98] =	sst lr;
	_ =	strace $0xD0000000  }
0x3: {  	_ = 	snop  }
0x4: {  	_ = 	snop  }
0x5: {  	_ = 	snop  }
0x6: {  	_ = 	snop  }
0x7: {  	_ = 	snop  }
__scs_overlays_trampoline_lowered:
0x8: {  	[smem:$0x3FA7] =	sst s0  }
0x9: {  	[smem:$0x3FA8] =	sst s1  }
0xa: {  	[smem:$0x3FA9] =	sst s2  }
0xb: {  	[smem:$0x3FAA] =	sst s3  }
0xc: {  	[smem:$0x3FAB] =	sst s4  }
0xd: {  	[smem:$0x3FAC] =	sst s5  }
0xe: {  	[smem:$0x3FAD] =	sst s6  }
0xf: {  	[smem:$0x3FAE] =	sst s7  }
0x10: {  	[smem:$0x3FAF] =	sst s8  }
0x11: {  	[smem:$0x3FB0] =	sst s9;
	s0 =	simm.s32 @!p0 $0x0  }
0x12: {  	s1 =	sld [smem:$0x3F96];
	s0 =	simm.s32 @p0 $0x1  }
0x13: {  	[smem:$0x3FB1] =	sst s0;
	s0 =	simm.s32 @!p1 $0x0  }
0x14: {  	s2 =	sld [smem:$0x3F95];
	s0 =	simm.s32 @p1 $0x1  }
0x15: {  	[smem:$0x3FB2] =	sst s0;
	s0 =	simm.s32 @!p2 $0x0  }
0x16: {  	s3 =	sld [smem:$0x3FDB];
	s0 =	simm.s32 @p2 $0x1  }
0x17: {  	s4 =	simm.s32 $0x1BF5;
	[smem:$0x3FB4] =	sst s0  }
0x18: {  	s0 =	sld [smem:$0x3F97];
	_ =	swait.ge [sflag:s4], $0x0  }
0x19: {  	s7 =	sld [smem:$0x3F98]  }
0x1a: {  	s8 =	sadd.s32 $0xFFFFE003, lr  }
0x1b: {  	s9 =	sadd.s32 $0xFFFFFEF7, lr;
	s5 =	simm.s32 $0xFFFFFFFF;
	p2 =	slt.u32 s8, $0xFFFFF086  }
0x1c: {  	p1 =	slt.u32 s9, $0xF7A;
	s5 =	simm.s32 @!p2 $0x0  }
0x1d: {  	s5 =	simm.s32 @p1 $0x1;
	p0 =	seq.s32 s7, s2  }
0x1e: {  	s7 =	smul.u32 @!p0 $0xF7A, s2;
	p2 =	seq.s32 @!p0 s5, $0x0  }
0x1f: {  	s9 =	smul.u32 $0xF7A, s1;
	s8 =	simm.s32 @!p0 $0x1BF5;
	p2 =	por !p2, p0  }
0x20: {  	[sflag:s8] =	ssyncset.s32 @!p0 $0xFFFFF086;
	s6 =	sadd.s32 @!p0 s3, s7;
	s7 =	simm.s32 @!p0 $0x108  }
0x21: {  	s3 =	sadd.s32 s3, s9;
	s6 =	sadd.s32 @!p0 $0x88, s6;
	s7 =	simm.s32 @p2 $0x1082  }
0x22: {  	[simem:s7], [sflag:s8] =	dma.local @!p0 [hbm:s6], $0xF7A  }
0x23: {  	s9 =	sor.u32 $0xD0000000, s2;
	s6 =	simm.s32 $0x108;
	_ =	swait.ge @!p0 [sflag:s8], $0x0  }
0x24: {  	s3 =	sadd.s32 $0x88, s3;
	s6 =	simm.s32 @!p1 $0x1082;
	[sflag:s4] =	ssyncset.s32 $0xFFFFF086  }
0x25: {  	[simem:s6], [sflag:s4] =	dma.local [hbm:s3], $0xF7A  }
0x26: {  	[smem:$0x3F98] =	sst s1;
	(tag) =	ssettag s2;
	_ =	strace s9  }
0x27: {  	s1 =	sld [smem:$0x3FA8]  }
0x28: {  	s2 =	sld [smem:$0x3FA9]  }
0x29: {  	s4 =	sld [smem:$0x3FAB]  }
0x2a: {  	p0 =	seq.s32 s5, $0x0;
	s5 =	sld [smem:$0x3FAC]  }
0x2b: {  	s6 =	sld [smem:$0x3FAD]  }
0x2c: {  	s7 =	sld [smem:$0x3FAE]  }
0x2d: {  	s3 =	simm.s32 $0x108;
	s8 =	sld [smem:$0x3FAF]  }
0x2e: {  	s3 =	simm.s32 @!p0 $0x1082;
	s9 =	sld [smem:$0x3FB0]  }
0x2f: {  	lr =	sadd.s32 s0, s3;
	s0 =	sld [smem:$0x3FA7]  }
0x30: {  	s3 =	sld [smem:$0x3FAA]  }
0x31: {  	[smem:$0x3FB3] =	sst s10  }
0x32: {  	s10 =	sld [smem:$0x3FB1];
	_ =	sdelay $0x3  }
0x33: {  	p0 =	seq.s32 s10, $0x1;
	s10 =	sld [smem:$0x3FB3];
	_ =	sdelay $0x3  }
0x34: {  	[smem:$0x3FB3] =	sst s10  }
0x35: {  	s10 =	sld [smem:$0x3FB2];
	_ =	sdelay $0x3  }
0x36: {  	p1 =	seq.s32 s10, $0x1;
	s10 =	sld [smem:$0x3FB3];
	_ =	sdelay $0x3  }
0x37: {  	[smem:$0x3FB3] =	sst s10  }
0x38: {  	s10 =	sld [smem:$0x3FB4]  }
0x39: {  	_ = 	snop;
	(pc) =	sbr.ind lr, $3  }
0x3a: {  	_ = 	snop  }
0x3b: {  	_ = 	snop  }
0x3c: {  	p2 =	seq.s32 s10, $0x1;
	s10 =	sld [smem:$0x3FB3]  }
0x3d: {  	_ =	shalt  }
0x3e: {  	_ =	shalt  }
0x3f: {  	_ =	shalt  }
0x40: {  	_ =	shalt  }
0x41: {  	_ =	shalt  }
0x42: {  	_ =	shalt  }
0x43: {  	_ =	shalt  }
0x44: {  	_ =	shalt  }
0x45: {  	_ =	shalt  }
0x46: {  	_ =	shalt  }
0x47: {  	_ =	shalt  }
0x48: {  	_ =	shalt  }
0x49: {  	_ =	shalt  }
0x4a: {  	_ =	shalt  }
0x4b: {  	_ =	shalt  }
0x4c: {  	_ =	shalt  }
0x4d: {  	_ =	shalt  }
0x4e: {  	_ =	shalt  }
0x4f: {  	_ =	shalt  }
0x50: {  	_ =	shalt  }
0x51: {  	_ =	shalt  }
0x52: {  	_ =	shalt  }
0x53: {  	_ =	shalt  }
0x54: {  	_ =	shalt  }
0x55: {  	_ =	shalt  }
0x56: {  	_ =	shalt  }
0x57: {  	_ =	shalt  }
0x58: {  	_ =	shalt  }
0x59: {  	_ =	shalt  }
0x5a: {  	_ =	shalt  }
0x5b: {  	_ =	shalt  }
0x5c: {  	_ =	shalt  }
0x5d: {  	_ =	shalt  }
0x5e: {  	_ =	shalt  }
0x5f: {  	_ =	shalt  }
0x60: {  	_ =	shalt  }
0x61: {  	_ =	shalt  }
0x62: {  	_ =	shalt  }
0x63: {  	_ =	shalt  }
0x64: {  	_ =	shalt  }
0x65: {  	_ =	shalt  }
0x66: {  	_ =	shalt  }
0x67: {  	_ =	shalt  }
0x68: {  	_ =	shalt  }
0x69: {  	_ =	shalt  }
0x6a: {  	_ =	shalt  }
0x6b: {  	_ =	shalt  }
0x6c: {  	_ =	shalt  }
0x6d: {  	_ =	shalt  }
0x6e: {  	_ =	shalt  }
0x6f: {  	_ =	shalt  }
0x70: {  	_ =	shalt  }
0x71: {  	_ =	shalt  }
0x72: {  	_ =	shalt  }
0x73: {  	_ =	shalt  }
0x74: {  	_ =	shalt  }
0x75: {  	_ =	shalt  }
0x76: {  	_ =	shalt  }
0x77: {  	_ =	shalt  }
0x78: {  	_ =	shalt  }
0x79: {  	_ =	shalt  }
0x7a: {  	_ =	shalt  }
0x7b: {  	_ =	shalt  }
0x7c: {  	_ =	shalt  }
0x7d: {  	_ =	shalt  }
0x7e: {  	_ =	shalt  }
0x7f: {  	_ =	shalt  }
0x80: {  	_ =	shalt  }
0x81: {  	_ =	shalt  }
0x82: {  	_ =	shalt  }
0x83: {  	_ =	shalt  }
0x84: {  	_ =	shalt  }
0x85: {  	_ =	shalt  }
0x86: {  	_ =	shalt  }
0x87: {  	_ =	shalt  }
.Lfunc_end0:
.L_simem_size_0:
called_computation_lowered:
.L_overlay_start_0:
0x88: {  	s2 =	sld [smem:$0x3FD9]  }
0x89: {  	s3 =	sld [smem:$0x3FFE];
	_ =	sdelay $0x1  }
0x8a: {  	s1 =	srdreg.scid  }
0x8b: {  	s0 =	sand.u32 $0x1, s1  }
0x8c: {  	s17 =	sshll.u32 s0, $0xA;
	s2 =	sadd.s32 s3, s2  }
0x8d: {  	s2 =	sadd.s32 s2, s17  }
0x8e: {  	[smem:$0x3FBF] =	sst s2  }
0x8f: {  	_ = 	snop  }
0x90: {  	s2 =	sld [smem:$0x3FD0];
	(tm) =	ssettm $0x1  }
0x91: {  	s18 =	sld [smem:$0x3FFB];
	_ =	sdelay $0x3  }
0x92: {  	_ =	strace s18  }
0x93: {  	s3 =	sld [smem:$0x3FFC];
	_ =	sdelay $0x3  }
0x94: {  	_ =	strace s3  }
0x95: {  	s3 =	sld [smem:$0x3FFD];
	_ =	sdelay $0x3  }
0x96: {  	_ =	strace s3  }
0x97: {  	_ =	strace $0x8FFFFFFF  }
0x98: {  	s19 =	sld [smem:$0x3FDB];
	_ =	sdelay $0x1  }
0x99: {  	s4 =	simm.s32 $_scs_section_size  }
0x9a: {  	s5 =	simm.s32 $_size__tile_overlayer_lowered;
	s6 =	simm.s32 $_tile_overlayer_lowered  }
0x9b: {  	s22 =	simm.s32 $0x1BFF;
	s21 =	sshll.u32 s6, $0x1;
	s3 =	sadd.s32 s4, s19  }
0x9c: {  	s7 =	simm.s32 $0x0;
	s20 =	sshll.u32 s5, $0x1;
	s5 =	sadd.s32 s21, s3  }
0x9d: {  	[timem:s7], [sflag:s22] =	dma.local [hbm:s5], s20  }
0x9e: {  	_ =	swait.ge [sflag:s22], s20  }
0x9f: {  	s4 =	ssub.s32 $0x0, s20;
	[sflag:s22] =	ssyncset.done $0x0  }
0xa0: {  	[sflag:s22] =	ssyncadd.s32 s4;
	_ =	sdelay $0x1  }
0xa1: {  	s23 =	simm.s32 $0x1B8B  }
0xa2: {  	_ =	swait.ge [sflag:s23], $0x1  }
0xa3: {  	[sflag:s23] =	ssyncset.done $0x0  }
0xa4: {  	s25 =	simm.s32 $0x1B8E;
	s24 =	sld [smem:$0x3FFE];
	[sflag:s23] =	ssyncadd.s32 $0xFFFFFFFF  }
0xa5: {  	s26 =	simm.s32 $execute0_lowered;
	[smem:$0x3FD2] =	sst s25  }
0xa6: {  	s5 =	sshll.u32 s26, $0x1;
	_ =	strace $0x80000046;
	[dreg:$0x1] =	wrdreg $0xFFFFFFFF  }
0xa7: {  	s28 =	simm.s32 $_size_execute0_lowered;
	s3 =	sadd.s32 s3, s5;
	[dreg:$0x0] =	wrdreg $0x0  }
0xa8: {  	s5 =	sshll.u32 s28, $0x1;
	[dreg:$0x2] =	wrdreg s3  }
0xa9: {  	[dreg:$0x3] =	wrdreg s5  }
0xaa: {  	[dreg:$0x4] =	wrdreg $0xC0  }
0xab: {  	_ =	task [dreg:s7], $0x5FFFF  }
0xac: {  	[dreg:$0x1] =	wrdreg $0xFFFFFFFF  }
0xad: {  	[dreg:$0x0] =	wrdreg $0x60  }
0xae: {  	[dreg:$0x2] =	wrdreg s24  }
0xaf: {  	[dreg:$0x3] =	wrdreg s2  }
0xb0: {  	[dreg:$0x4] =	wrdreg $0x5500  }
0xb1: {  	[dreg:$0x5] =	wrdreg $0x9  }
0xb2: {  	_ =	task.clear_ibuf [dreg:s7], $0x6FFFF;
	_ =	strace $0x90000046  }
0xb3: {  	s29 =	simm.s32 $0x9;
	_ =	strace $0x80000048  }
0xb4: {  	_ =	swait.ge [sflag:s29], $0x1  }
0xb5: {  	[sflag:s29] =	ssyncadd.s32 $0xFFFFFFFF  }
0xb6: {  	_ =	strace $0x90000048  }
0xb7: {  	_ =	sfence  }
0xb8: {  	s30 =	sld [smem:$0x0];
	_ =	sdelay $0x2  }
0xb9: {  	s31 =	sshll.u32 s1, $0xD;
	s1 =	sshrl.u32 s1, $0x2  }
0xba: {  	s3 =	sand.u32 $0x4000, s31;
	s1 =	sadd.s32 s1, s30  }
0xbb: {  	s0 =	sor.u32 s3, s0;
	s1 =	sshll.u32 s1, $0x11  }
0xbc: {  	s0 =	sor.u32 s1, s0  }
0xbd: {  	s0 =	sadd.s32 $0x8F2B, s0  }
0xbe: {  	[sflag:s0] =	ssyncadd.remote.s32 $0x1  }
0xbf: {  	_ =	sfence.sel $0xFFFF  }
0xc0: {  	[dreg:$0x0] =	wrdreg $0xFFFFFFFF;
	(pc) =	sbr.abs _section_cstart, $3  }
0xc1: {  	[dreg:$0x1] =	wrdreg $0xFFFFFFFF  }
0xc2: {  	_ =	task.clear_ibuf [dreg:s7], $0x2FFFF;
	_ =	strace $0x9FFFFFFF  }
0xc3: {  	(tm) =	ssettm $0x7FFFFFFF  }
tec
execute0_lowered:
.L_overlay_start_1:
0x0: {  	(tag) =	ssettag $0x1  }
0x1: {  	s0 =	srdreg.scid  }
0x2: {  	s5 =	rddreg [dreg:$0x0];
	s6 =	sand.u32 $0x1, s0  }
0x3: {  	s0 =	stileid.u32;
	s7 =	smul.u32 $0x27100, s6  }
0x4: {  	s2 =	rddreg [dreg:$0x1];
	s8 =	smul.u32 $0x2710, s0  }
0x5: {  	s3 =	rddreg [dreg:$0x2];
	s9 =	smul.u32 $0x2800, s0  }
0x6: {  	s1 =	rddreg [dreg:$0x3];
	s4 =	simm.s32 $0x0;
	s26 =	smul.u32 $0x500, s0  }
0x7: {  	s13 =	simm.s32 $0x0;
	[smem:$0x7FF] =	sst s4;
	s10 =	smul.u32 $0x5000, s6  }
0x8: {  	_ =	strace $0x80000047;
	s6 =	ssub.s32 $0x2, s6;
	s31 =	sshll.u32 s0, $0x6  }
0x9: {  	s29 =	sshrl.u32 s6, $0x1;
	s7 =	sadd.s32 s8, s7;
	s28 =	sshrl.u32 s9, $0x3  }
0xa: {  	s8 =	sadd.s32 s26, s10;
	s30 =	ssub.s32 s6, s29;
	s12 =	sadd.s32 s9, s3  }
0xb: {  	s9 =	simm.s32 $0x50;
	s10 =	simm.s32 $0x1;
	s7 =	sshrl.u32 s7, $0x3  }
0xc: {  	s8 =	sadd.s32 s8, s5;
	s11 =	sadd.s32 s7, s5;
	s7 =	sadd.s32 s28, s5  }
0xd: {  	s12 =	sshrl.u32 s12, $0x3;
	s6 =	sadd.s32 $0x1A800, s8;
	s5 =	sadd.s32 $0x15800, s7  }
0xe: {  	s7 =	smax.u32 s30, $0x1;
	s8 =	sadd.s32 $0xBA00, s11;
	s11 =	sor.u32 $0x1C01, s31  }
.LBB2_1:
0xf: {  	[tilespmem:s9], [sflag:$0x1] =	stream.linear.gather [hbm4b:s2+s4], $0x500, $0x38;
	[tilespmem:$0x2D50] =	vst v63  }
0x10: {  	_ =	swait.ge [sflag:s10], $0x500  }
0x11: {  	[sflag:s10] =	ssyncset.done $0x0  }
0x12: {  	[sflag:s10] =	ssyncadd.s32 $0xFFFFFB00  }
0x13: {  	[spmem:s12], [sflag:s11] =	dma.local [hbm:s5], $0x500  }
0x14: {  	_ =	swait.ge [sflag:s10], $0x500  }
0x15: {  	[sflag:s10] =	ssyncset.done $0x0  }
0x16: {  	[sflag:s10] =	ssyncadd.s32 $0xFFFFFB00  }
0x17: {  	s14 =	sadd.s32 $0x0, s8;
	[bflag:$0x0] =	sbarrier.arrive $0xFFFF  }
0x18: {  	[tilespmem:s4], [sflag:$0x1] =	stream.linear.gather [hbm4b:s14+s4], $0x50, $0x38;
	[tilespmem:$0x2D50] =	vst v63  }
0x19: {  	_ =	swait.ge [sflag:s10], $0x50  }
0x1a: {  	[sflag:s10] =	ssyncset.done $0x0  }
0x1b: {  	[sflag:s10] =	ssyncadd.s32 $0xFFFFFFB0  }
0x1c: {  	[spmem:s3] =	stream.indirect.scatter.add.f32 [tilespmem:s9], [sflag:$0x1], $0x10, s4, s9, $0xb8;
	[tilespmem:$0x2D50] =	vst v63  }
0x1d: {  	_ =	swait.ge [sflag:s10], $0x500  }
0x1e: {  	s15 =	simm.s32 $0x14;
	s14 =	simm.s32 $0xA;
	[sflag:s10] =	ssyncset.done $0x0  }
.LBB2_2:
0x1f: {  	s16 =	sadd.s32 s14, s8  }
0x20: {  	[sflag:s10] =	ssyncadd.s32 $0xFFFFFB00;
	s14 =	smov.u32 s15;
	s17 =	sadd.s32 $0xA, s15  }
0x21: {  	[tilespmem:s4], [sflag:$0x1] =	stream.linear.gather [hbm4b:s16+s4], $0x50, $0x38;
	[tilespmem:$0x2D50] =	vst v63  }
0x22: {  	p0 =	sne.s32 s15, $0x4D8;
	_ =	swait.ge [sflag:s10], $0x50  }
.Ltmp0:
0x23: {  	[sflag:s10] =	ssyncset.done $0x0;
	(pc) =	sbr.rel @p0 .LBB2_2-.Ltmp0, $4  }
0x24: {  	[sflag:s10] =	ssyncadd.s32 $0xFFFFFFB0  }
0x25: {  	[spmem:s3] =	stream.indirect.scatter.add.f32 [tilespmem:s9], [sflag:$0x1], $0x10, s4, s9, $0xb8;
	[tilespmem:$0x2D50] =	vst v63  }
0x26: {  	_ =	swait.ge [sflag:s10], $0x500  }
0x27: {  	s15 =	smov.u32 s17;
	[sflag:s10] =	ssyncset.done $0x0  }
0x28: {  	s14 =	sadd.s32 s14, s8;
	[sflag:s10] =	ssyncadd.s32 $0xFFFFFB00  }
0x29: {  	[tilespmem:s4], [sflag:$0x1] =	stream.linear.gather [hbm4b:s14+s4], $0x50, $0x38;
	[tilespmem:$0x2D50] =	vst v63  }
0x2a: {  	_ =	swait.ge [sflag:s10], $0x50  }
0x2b: {  	[sflag:s10] =	ssyncset.done $0x0  }
0x2c: {  	[sflag:s10] =	ssyncadd.s32 $0xFFFFFFB0  }
0x2d: {  	[spmem:s3] =	stream.indirect.scatter.add.f32 [tilespmem:s9], [sflag:$0x1], $0x10, s4, s9, $0xb8;
	[tilespmem:$0x2D50] =	vst v63  }
0x2e: {  	_ =	swait.ge [sflag:s10], $0x500  }
0x2f: {  	s13 =	sadd.s32 $0x1, s13;
	[sflag:s10] =	ssyncset.done $0x0  }
0x30: {  	p0 =	sne.s32 s13, s7;
	[sflag:s10] =	ssyncadd.s32 $0xFFFFFB00  }
.Ltmp1:
0x31: {  	[bflag:$0x0] =	sbarrier.arrive $0xFFFF;
	(pc) =	sbr.rel @p0 .LBB2_1-.Ltmp1, $4  }
0x32: {  	[hbm:s6], [sflag:s11] =	dma.local [spmem:s12], $0x500  }
0x33: {  	_ =	swait.ge [sflag:s10], $0x500  }
0x34: {  	[sflag:s10] =	ssyncset.done $0x0  }
0x35: {  	[sflag:s10] =	ssyncadd.s32 $0xFFFFFB00  }
0x36: {  	_ =	sfence.sel $0x180000  }
0x37: {  	[bflag:$0x0] =	sbarrier.arrive $0xFFFF  }
0x38: {  	p0 =	sne.s32 s0, $0x0;
	_ =	strace $0x90000047  }
0x39: {  	s0 =	sadd.s32 @!p0 $0x100000, s1;
	[bflag:$0x2] =	sbarrier.arrive $0xFFFF  }
0x3a: {  	[sflag:s0] =	ssyncadd.tile.s32 @!p0 $0x1;
	_ =	shalt  }
.Lfunc_end2:
_tile_overlayer_lowered:
.L_overlay_start_2:
0x3b: {  	(tag) =	ssettag $0x2  }
0x3c: {  	s0 =	rddreg [dreg:$0x0];
	s2 =	stileid.u32  }
0x3d: {  	s1 =	rddreg [dreg:$0x1];
	p0 =	sne.s32 s2, $0x0  }
0x3e: {  	s3 =	rddreg [dreg:$0x2];
	[bflag:$0x3] =	sbarrier.arrive $0xFFFF;
	s2 =	simm.s32 @!p0 $0x1C01  }
0x3f: {  	[timem:s3], [sflag:s2] =	dma.local @!p0 [hbm:s0], s1  }
0x40: {  	s0 =	simm.s32 @!p0 $0x1  }
0x41: {  	_ =	swait.ge @!p0 [sflag:s0], s1  }
0x42: {  	s1 =	ssub.s32 @!p0 $0x0, s1;
	[sflag:s0] =	ssyncset.done @!p0 $0x0  }
0x43: {  	[sflag:s0] =	ssyncadd.s32 @!p0 s1  }
0x44: {  	[bflag:$0x3] =	sbarrier.arrive $0xFFFF  }
0x45: {  	_ =	shalt  }

</sc_bundles>
